<compile_context>
chip_gen: v7x
topology: tpu7x:2x2x1
jax: 0.10.2.dev20260603
libtpu: 0.0.44.dev20260713+nightly
codegen_flags: <defaults>
</compile_context>

<pallas_src>
import functools

import jax
import jax.numpy as jnp
from jax import lax
from jax.experimental import pallas as pl
from jax.experimental.pallas import tpu as pltpu
from jax.experimental.pallas import tpu_sc as plsc

N = 10000
F = 128
E = 320000

NC = 2
NS = 16
NW = NC * NS
K = 128
EPT = E // NW
NCH = 80
EPT_PAD = NCH * K
NPAD = 10240
RPT = NPAD // NS
DEGW = 16

_MESH = plsc.VectorSubcoreMesh(
    core_axis_name="c", subcore_axis_name="s", num_cores=NC, num_subcores=NS)


DEG_FK = 16


def _deg_body(dst_hbm, out_hbm, dst_v, buf, degsh, sem):
    cid = lax.axis_index("c")
    sid = lax.axis_index("s")
    wid = sid * NC + cid

    def fill(val):
        def row(r, c):
            buf[r, :] = jnp.full((DEGW,), val, jnp.float32)
            return c
        lax.fori_loop(0, K, row, 0)

    fill(0.0)
    for j in range(RPT // K):
        pltpu.sync_copy(buf, degsh.at[pl.ds(sid * RPT + j * K, K)])
    fill(1.0)
    pltpu.sync_copy(dst_hbm.at[wid], dst_v)
    plsc.subcore_barrier()

    def group(g, c):
        def fire(i, c2):
            pltpu.async_copy(buf, degsh.at[dst_v.at[g * DEG_FK + i]], sem,
                             add=True)
            return c2
        lax.fori_loop(0, DEG_FK, fire, 0)

        def drain(i, c2):
            pltpu.make_async_copy(buf, degsh.at[dst_v.at[0]], sem).wait()
            return c2
        lax.fori_loop(0, DEG_FK, drain, 0)
        return c
    lax.fori_loop(0, NCH // DEG_FK, group, 0)
    plsc.subcore_barrier()
    pltpu.sync_copy(degsh.at[pl.ds(sid * RPT, RPT)],
                    out_hbm.at[cid, pl.ds(sid * RPT, RPT)])


_deg_call = functools.partial(
    pl.kernel,
    out_type=jax.ShapeDtypeStruct((NC, NPAD, DEGW), jnp.float32),
    mesh=_MESH,
    scratch_types=[
        pltpu.VMEM((NCH, K), jnp.int32),
        pltpu.VMEM((K, DEGW), jnp.float32),
        pltpu.VMEM_SHARED((NPAD, DEGW), jnp.float32),
        pltpu.SemaphoreType.DMA,
    ],
)(_deg_body)


CHG = 16


def _gs_body(src_hbm, dst_hbm, y_hbm, out_hbm, src_g, dst_g, bufa, bufb,
             gsh, sema, semb):
    cid = lax.axis_index("c")
    sid = lax.axis_index("s")
    wid = sid * NC + cid

    def zrow(r, c):
        for j in range(F // 16):
            bufa[r, pl.ds(j * 16, 16)] = jnp.zeros((16,), jnp.float32)
        return c
    lax.fori_loop(0, K, zrow, 0)
    for j in range(RPT // K):
        pltpu.sync_copy(bufa, gsh.at[pl.ds(sid * RPT + j * K, K)])
    plsc.subcore_barrier()

    def group(gi, c):
        pltpu.sync_copy(src_hbm.at[wid, pl.ds(gi * CHG, CHG)], src_g)
        pltpu.sync_copy(dst_hbm.at[wid, pl.ds(gi * CHG, CHG)], dst_g)
        pltpu.async_copy(y_hbm.at[src_g.at[0]], bufa, sema)

        def step2(t, c2):
            i = t * 2
            pltpu.async_copy(y_hbm.at[src_g.at[i + 1]], bufb, semb)
            pltpu.make_async_copy(y_hbm.at[src_g.at[i]], bufa, sema).wait()
            pltpu.sync_copy(bufa, gsh.at[dst_g.at[i]], add=True)

            @pl.when(i + 2 < CHG)
            def _():
                pltpu.async_copy(y_hbm.at[src_g.at[i + 2]], bufa, sema)
            pltpu.make_async_copy(y_hbm.at[src_g.at[i + 1]], bufb, semb).wait()
            pltpu.sync_copy(bufb, gsh.at[dst_g.at[i + 1]], add=True)
            return c2
        lax.fori_loop(0, CHG // 2, step2, 0)
        return c
    lax.fori_loop(0, NCH // CHG, group, 0)
    plsc.subcore_barrier()
    pltpu.sync_copy(gsh.at[pl.ds(sid * RPT, RPT)],
                    out_hbm.at[cid, pl.ds(sid * RPT, RPT)])


_gs_call = functools.partial(
    pl.kernel,
    out_type=jax.ShapeDtypeStruct((NC, NPAD, F), jnp.float32),
    mesh=_MESH,
    scratch_types=[
        pltpu.VMEM((CHG, K), jnp.int32),
        pltpu.VMEM((CHG, K), jnp.int32),
        pltpu.VMEM((K, F), jnp.float32),
        pltpu.VMEM((K, F), jnp.float32),
        pltpu.VMEM_SHARED((NPAD, F), jnp.float32),
        pltpu.SemaphoreType.DMA,
        pltpu.SemaphoreType.DMA,
    ],
)(_gs_body)


_BR = 1024


def _mm_body(x_ref, wt_ref, degc_ref, y_ref):
    deg = degc_ref[0, :] + degc_ref[1, :] + 1.0
    dinv = lax.rsqrt(deg)
    y = jnp.dot(x_ref[...], wt_ref[...],
                preferred_element_type=jnp.float32,
                precision=lax.Precision.HIGHEST)
    y_ref[...] = y * dinv[:, None]


def _mm_call(x, wt, degc):
    return pl.pallas_call(
        _mm_body,
        grid=(NPAD // _BR,),
        in_specs=[
            pl.BlockSpec((_BR, F), lambda i: (i, 0)),
            pl.BlockSpec((F, F), lambda i: (0, 0)),
            pl.BlockSpec((NC, _BR), lambda i: (0, i)),
        ],
        out_specs=pl.BlockSpec((_BR, F), lambda i: (i, 0)),
        out_shape=jax.ShapeDtypeStruct((NPAD, F), jnp.float32),
    )(x, wt, degc)


_DR = 1024


def _fin_body(x_ref, y_ref, g_ref, degc_ref, b_ref, o_ref):
    deg = degc_ref[0, :] + degc_ref[1, :] + 1.0
    dinv = lax.rsqrt(deg)
    gs = g_ref[0] + g_ref[1] + y_ref[...]
    o_ref[...] = x_ref[...] + jnp.maximum(
        gs * dinv[:, None] + b_ref[...][None, :], 0.0)


def _fin_call(x, y, g, degc, b):
    return pl.pallas_call(
        _fin_body,
        grid=(pl.cdiv(N, _DR),),
        in_specs=[
            pl.BlockSpec((_DR, F), lambda i: (i, 0)),
            pl.BlockSpec((_DR, F), lambda i: (i, 0)),
            pl.BlockSpec((NC, _DR, F), lambda i: (0, i, 0)),
            pl.BlockSpec((NC, _DR), lambda i: (0, i)),
            pl.BlockSpec((F,), lambda i: (0,)),
        ],
        out_specs=pl.BlockSpec((_DR, F), lambda i: (i, 0)),
        out_shape=jax.ShapeDtypeStruct((N, F), jnp.float32),
    )(x, y, g, degc, b)


def kernel(x, edge_index, W, b):
    src = edge_index[0].astype(jnp.int32)
    dst = edge_index[1].astype(jnp.int32)
    pad = jnp.full((NW, EPT_PAD - EPT), N, jnp.int32)
    srcp = jnp.concatenate([src.reshape(NW, EPT), pad], axis=1)
    srcp = srcp.reshape(NW, NCH, K)
    dstp = jnp.concatenate([dst.reshape(NW, EPT), pad], axis=1)
    dstp = dstp.reshape(NW, NCH, K)

    degp = _deg_call(dstp)
    degc = degp[:, :, 0]
    y = _mm_call(x, W.T, degc)
    g = _gs_call(srcp, dstp, y)
    return _fin_call(x, y, g, degc, b)

# --- scband reference (transcript-rebuilt; emitter-appended) ---
"""Pipeline reference for scband-sgc-31138512896566 (READ-ONLY COPY).

The authoritative reference and input builder live on the scoring server;
editing this copy changes nothing except your own understanding.
"""

import jax, jax.numpy as jnp
import numpy as np

NFEAT = 128
NCLASS = 128
N_NODES = 10000
N_EDGES = 320000

def setup_inputs(seed: int = 0) -> dict:
    key = jax.random.key(seed)
    k1, k2, k3, k4 = jax.random.split(key, 4)
    x = jax.random.normal(k1, (N_NODES, NFEAT), dtype=jnp.float32)
    edge_index = jax.random.randint(k2, (2, N_EDGES), 0, N_NODES, dtype=jnp.int64)
    # SGConv linear layer params (PyG Linear: weight [out, in], bias [out])
    bound = 1.0 / np.sqrt(NFEAT)
    W = jax.random.uniform(k3, (NCLASS, NFEAT), dtype=jnp.float32, minval=-bound, maxval=bound)
    b = jax.random.uniform(k4, (NCLASS,), dtype=jnp.float32, minval=-bound, maxval=bound)
    return {"x": x, "edge_index": edge_index, "W": W, "b": b}

def reference(x, edge_index, W, b):
    N = x.shape[0]
    src = edge_index[0]
    dst = edge_index[1]
    # gcn_norm with add_self_loops=True, edge_weight=1
    loop = jnp.arange(N, dtype=edge_index.dtype)
    src2 = jnp.concatenate([src, loop])
    dst2 = jnp.concatenate([dst, loop])
    ew = jnp.ones(src2.shape[0], dtype=x.dtype)
    deg = jnp.zeros((N,), dtype=x.dtype).at[dst2].add(ew)
    dinv = jnp.where(deg > 0, deg ** -0.5, 0.0)
    norm = dinv[src2] * ew * dinv[dst2]
    # K=1 propagation: out[dst] += norm * x[src]
    msg = x[src2] * norm[:, None]
    h = jnp.zeros_like(x).at[dst2].add(msg)
    # linear
    out = h @ W.T + b
    # residual + relu
    return x + jax.nn.relu(out)

if __name__ == "__main__":
    import jax
    _d = setup_inputs()
    print(jax.jit(kernel)(*tuple(_d.values())))

</pallas_src>

<mosaic_0001>
#map = affine_map<(d0, d1) -> (0, 0, 0)>
module attributes {stable_mosaic.version = 14 : i64} {
  func.func @_deg_body(%arg0: i32, %arg1: i32, %arg2: memref<32x80x128xi32, #tpu.memory_space<hbm>>, %arg3: memref<2x10240x16xf32, #tpu.memory_space<hbm>>, %arg4: memref<80x128xi32, #tpu.memory_space<vmem>>, %arg5: memref<128x16xf32, #tpu.memory_space<vmem>>, %arg6: memref<10240x16xf32, #tpu.memory_space<vmem_shared>>, %arg7: memref<!tpu.dma_semaphore, #tpu.memory_space<semaphore_mem>>) attributes {dimension_semantics = [#tpu.dimension_semantics<core_parallel>, #tpu.dimension_semantics<subcore_parallel>], iteration_bounds = array<i64: 2, 16>, scalar_prefetch = 0 : i64, scratch_operands = 4 : i64, tpu.core_type = #tpu.core_type<sc_vector_subcore>, window_params = [{transform_indices = #map}, {transform_indices = #map}]} {
    %mul3A = arith.constant 2 : i32
    %mul3A_0 = arith.muli %arg1, %mul3A : i32
    %add3A = arith.addi %mul3A_0, %arg0 : i32
    %scan3A = arith.constant 0 : i32
    %scan3A_1 = arith.constant 0 : i32
    %scan3A_2 = arith.constant 128 : i32
    %scan3A_3 = arith.addi %scan3A_1, %scan3A_2 : i32
    %scan3A_4 = arith.constant 1 : i32
    scf.for %scan3A_43 = %scan3A_1 to %scan3A_3 step %scan3A_4  : i32 {
      %broadcast_in_dim3A = arith.constant 0.000000e+00 : f32
      %broadcast_in_dim3A_44 = vector.broadcast %broadcast_in_dim3A : f32 to vector<16xf32>
      %swap3A = arith.index_cast %scan3A_43 : i32 to index
      %swap3A_45 = arith.constant 0 : index
      %swap3A_46 = tpu.vector_load %arg5[%swap3A, %swap3A_45] {strides = array<i32>} : memref<128x16xf32, #tpu.memory_space<vmem>>, vector<1x16xf32>,
      %swap3A_47 = vector.shape_cast %swap3A_46 : vector<1x16xf32> to vector<16xf32>
      %swap3A_48 = vector.shape_cast %broadcast_in_dim3A_44 : vector<16xf32> to vector<1x16xf32>
      tpu.vector_store %arg5[%swap3A, %swap3A_45], %swap3A_48 {strides = array<i32>} : memref<128x16xf32, #tpu.memory_space<vmem>>, vector<1x16xf32>,
    }
    %scan3A_5 = arith.constant 128 : i32
    %mul3A_6 = arith.constant 640 : i32
    %mul3A_7 = arith.muli %arg1, %mul3A_6 : i32
    %add3A_8 = arith.constant 0 : i32
    %add3A_9 = arith.addi %mul3A_7, %add3A_8 : i32
    "tpu.region"() ({
      %run_scoped3A = tpu.sem_alloc : memref<!tpu.dma_semaphore, #tpu.memory_space<semaphore_mem>>
      %dma_start3A = arith.constant 0 : i32
      %dma_start3A_43 = tpu.memref_slice %arg6[%add3A_9, %dma_start3A] : memref<10240x16xf32, #tpu.memory_space<vmem_shared>> -> memref<128x16xf32, #tpu.memory_space<vmem_shared>>
      %dma_start3A_44 = arith.constant 0 : i32
      %dma_start3A_45 = tpu.memref_slice %arg6[%add3A_9, %dma_start3A_44] : memref<10240x16xf32, #tpu.memory_space<vmem_shared>> -> memref<128x16xf32, #tpu.memory_space<vmem_shared>>
      tpu.enqueue_dma source(%arg5 : memref<128x16xf32, #tpu.memory_space<vmem>>) target(%dma_start3A_45 : memref<128x16xf32, #tpu.memory_space<vmem_shared>>) target_semaphore(%run_scoped3A : memref<!tpu.dma_semaphore, #tpu.memory_space<semaphore_mem>>)
      %dma_wait3A = arith.constant 0 : i32
      %dma_wait3A_46 = tpu.memref_slice %arg6[%add3A_9, %dma_wait3A] : memref<10240x16xf32, #tpu.memory_space<vmem_shared>> -> memref<128x16xf32, #tpu.memory_space<vmem_shared>>
      %dma_wait3A_47 = arith.constant 0 : i32
      %dma_wait3A_48 = tpu.memref_slice %arg6[%add3A_9, %dma_wait3A_47] : memref<10240x16xf32, #tpu.memory_space<vmem_shared>> -> memref<128x16xf32, #tpu.memory_space<vmem_shared>>
      tpu.wait_dma2 semaphore(%run_scoped3A : memref<!tpu.dma_semaphore, #tpu.memory_space<semaphore_mem>>) src(%arg5 : memref<128x16xf32, #tpu.memory_space<vmem>>) dst(%dma_wait3A_48 : memref<128x16xf32, #tpu.memory_space<vmem_shared>>)
      tpu.yield
    }) : () -> ()
    %mul3A_10 = arith.constant 640 : i32
    %mul3A_11 = arith.muli %arg1, %mul3A_10 : i32
    %add3A_12 = arith.constant 128 : i32
    %add3A_13 = arith.addi %mul3A_11, %add3A_12 : i32
    "tpu.region"() ({
      %run_scoped3A = tpu.sem_alloc : memref<!tpu.dma_semaphore, #tpu.memory_space<semaphore_mem>>
      %dma_start3A = arith.constant 0 : i32
      %dma_start3A_43 = tpu.memref_slice %arg6[%add3A_13, %dma_start3A] : memref<10240x16xf32, #tpu.memory_space<vmem_shared>> -> memref<128x16xf32, #tpu.memory_space<vmem_shared>>
      %dma_start3A_44 = arith.constant 0 : i32
      %dma_start3A_45 = tpu.memref_slice %arg6[%add3A_13, %dma_start3A_44] : memref<10240x16xf32, #tpu.memory_space<vmem_shared>> -> memref<128x16xf32, #tpu.memory_space<vmem_shared>>
      tpu.enqueue_dma source(%arg5 : memref<128x16xf32, #tpu.memory_space<vmem>>) target(%dma_start3A_45 : memref<128x16xf32, #tpu.memory_space<vmem_shared>>) target_semaphore(%run_scoped3A : memref<!tpu.dma_semaphore, #tpu.memory_space<semaphore_mem>>)
      %dma_wait3A = arith.constant 0 : i32
      %dma_wait3A_46 = tpu.memref_slice %arg6[%add3A_13, %dma_wait3A] : memref<10240x16xf32, #tpu.memory_space<vmem_shared>> -> memref<128x16xf32, #tpu.memory_space<vmem_shared>>
      %dma_wait3A_47 = arith.constant 0 : i32
      %dma_wait3A_48 = tpu.memref_slice %arg6[%add3A_13, %dma_wait3A_47] : memref<10240x16xf32, #tpu.memory_space<vmem_shared>> -> memref<128x16xf32, #tpu.memory_space<vmem_shared>>
      tpu.wait_dma2 semaphore(%run_scoped3A : memref<!tpu.dma_semaphore, #tpu.memory_space<semaphore_mem>>) src(%arg5 : memref<128x16xf32, #tpu.memory_space<vmem>>) dst(%dma_wait3A_48 : memref<128x16xf32, #tpu.memory_space<vmem_shared>>)
      tpu.yield
    }) : () -> ()
    %mul3A_14 = arith.constant 640 : i32
    %mul3A_15 = arith.muli %arg1, %mul3A_14 : i32
    %add3A_16 = arith.constant 256 : i32
    %add3A_17 = arith.addi %mul3A_15, %add3A_16 : i32
    "tpu.region"() ({
      %run_scoped3A = tpu.sem_alloc : memref<!tpu.dma_semaphore, #tpu.memory_space<semaphore_mem>>
      %dma_start3A = arith.constant 0 : i32
      %dma_start3A_43 = tpu.memref_slice %arg6[%add3A_17, %dma_start3A] : memref<10240x16xf32, #tpu.memory_space<vmem_shared>> -> memref<128x16xf32, #tpu.memory_space<vmem_shared>>
      %dma_start3A_44 = arith.constant 0 : i32
      %dma_start3A_45 = tpu.memref_slice %arg6[%add3A_17, %dma_start3A_44] : memref<10240x16xf32, #tpu.memory_space<vmem_shared>> -> memref<128x16xf32, #tpu.memory_space<vmem_shared>>
      tpu.enqueue_dma source(%arg5 : memref<128x16xf32, #tpu.memory_space<vmem>>) target(%dma_start3A_45 : memref<128x16xf32, #tpu.memory_space<vmem_shared>>) target_semaphore(%run_scoped3A : memref<!tpu.dma_semaphore, #tpu.memory_space<semaphore_mem>>)
      %dma_wait3A = arith.constant 0 : i32
      %dma_wait3A_46 = tpu.memref_slice %arg6[%add3A_17, %dma_wait3A] : memref<10240x16xf32, #tpu.memory_space<vmem_shared>> -> memref<128x16xf32, #tpu.memory_space<vmem_shared>>
      %dma_wait3A_47 = arith.constant 0 : i32
      %dma_wait3A_48 = tpu.memref_slice %arg6[%add3A_17, %dma_wait3A_47] : memref<10240x16xf32, #tpu.memory_space<vmem_shared>> -> memref<128x16xf32, #tpu.memory_space<vmem_shared>>
      tpu.wait_dma2 semaphore(%run_scoped3A : memref<!tpu.dma_semaphore, #tpu.memory_space<semaphore_mem>>) src(%arg5 : memref<128x16xf32, #tpu.memory_space<vmem>>) dst(%dma_wait3A_48 : memref<128x16xf32, #tpu.memory_space<vmem_shared>>)
      tpu.yield
    }) : () -> ()
    %mul3A_18 = arith.constant 640 : i32
    %mul3A_19 = arith.muli %arg1, %mul3A_18 : i32
    %add3A_20 = arith.constant 384 : i32
    %add3A_21 = arith.addi %mul3A_19, %add3A_20 : i32
    "tpu.region"() ({
      %run_scoped3A = tpu.sem_alloc : memref<!tpu.dma_semaphore, #tpu.memory_space<semaphore_mem>>
      %dma_start3A = arith.constant 0 : i32
      %dma_start3A_43 = tpu.memref_slice %arg6[%add3A_21, %dma_start3A] : memref<10240x16xf32, #tpu.memory_space<vmem_shared>> -> memref<128x16xf32, #tpu.memory_space<vmem_shared>>
      %dma_start3A_44 = arith.constant 0 : i32
      %dma_start3A_45 = tpu.memref_slice %arg6[%add3A_21, %dma_start3A_44] : memref<10240x16xf32, #tpu.memory_space<vmem_shared>> -> memref<128x16xf32, #tpu.memory_space<vmem_shared>>
      tpu.enqueue_dma source(%arg5 : memref<128x16xf32, #tpu.memory_space<vmem>>) target(%dma_start3A_45 : memref<128x16xf32, #tpu.memory_space<vmem_shared>>) target_semaphore(%run_scoped3A : memref<!tpu.dma_semaphore, #tpu.memory_space<semaphore_mem>>)
      %dma_wait3A = arith.constant 0 : i32
      %dma_wait3A_46 = tpu.memref_slice %arg6[%add3A_21, %dma_wait3A] : memref<10240x16xf32, #tpu.memory_space<vmem_shared>> -> memref<128x16xf32, #tpu.memory_space<vmem_shared>>
      %dma_wait3A_47 = arith.constant 0 : i32
      %dma_wait3A_48 = tpu.memref_slice %arg6[%add3A_21, %dma_wait3A_47] : memref<10240x16xf32, #tpu.memory_space<vmem_shared>> -> memref<128x16xf32, #tpu.memory_space<vmem_shared>>
      tpu.wait_dma2 semaphore(%run_scoped3A : memref<!tpu.dma_semaphore, #tpu.memory_space<semaphore_mem>>) src(%arg5 : memref<128x16xf32, #tpu.memory_space<vmem>>) dst(%dma_wait3A_48 : memref<128x16xf32, #tpu.memory_space<vmem_shared>>)
      tpu.yield
    }) : () -> ()
    %mul3A_22 = arith.constant 640 : i32
    %mul3A_23 = arith.muli %arg1, %mul3A_22 : i32
    %add3A_24 = arith.constant 512 : i32
    %add3A_25 = arith.addi %mul3A_23, %add3A_24 : i32
    "tpu.region"() ({
      %run_scoped3A = tpu.sem_alloc : memref<!tpu.dma_semaphore, #tpu.memory_space<semaphore_mem>>
      %dma_start3A = arith.constant 0 : i32
      %dma_start3A_43 = tpu.memref_slice %arg6[%add3A_25, %dma_start3A] : memref<10240x16xf32, #tpu.memory_space<vmem_shared>> -> memref<128x16xf32, #tpu.memory_space<vmem_shared>>
      %dma_start3A_44 = arith.constant 0 : i32
      %dma_start3A_45 = tpu.memref_slice %arg6[%add3A_25, %dma_start3A_44] : memref<10240x16xf32, #tpu.memory_space<vmem_shared>> -> memref<128x16xf32, #tpu.memory_space<vmem_shared>>
      tpu.enqueue_dma source(%arg5 : memref<128x16xf32, #tpu.memory_space<vmem>>) target(%dma_start3A_45 : memref<128x16xf32, #tpu.memory_space<vmem_shared>>) target_semaphore(%run_scoped3A : memref<!tpu.dma_semaphore, #tpu.memory_space<semaphore_mem>>)
      %dma_wait3A = arith.constant 0 : i32
      %dma_wait3A_46 = tpu.memref_slice %arg6[%add3A_25, %dma_wait3A] : memref<10240x16xf32, #tpu.memory_space<vmem_shared>> -> memref<128x16xf32, #tpu.memory_space<vmem_shared>>
      %dma_wait3A_47 = arith.constant 0 : i32
      %dma_wait3A_48 = tpu.memref_slice %arg6[%add3A_25, %dma_wait3A_47] : memref<10240x16xf32, #tpu.memory_space<vmem_shared>> -> memref<128x16xf32, #tpu.memory_space<vmem_shared>>
      tpu.wait_dma2 semaphore(%run_scoped3A : memref<!tpu.dma_semaphore, #tpu.memory_space<semaphore_mem>>) src(%arg5 : memref<128x16xf32, #tpu.memory_space<vmem>>) dst(%dma_wait3A_48 : memref<128x16xf32, #tpu.memory_space<vmem_shared>>)
      tpu.yield
    }) : () -> ()
    %scan3A_26 = arith.constant 0 : i32
    %scan3A_27 = arith.constant 0 : i32
    %scan3A_28 = arith.constant 128 : i32
    %scan3A_29 = arith.addi %scan3A_27, %scan3A_28 : i32
    %scan3A_30 = arith.constant 1 : i32
    scf.for %scan3A_43 = %scan3A_27 to %scan3A_29 step %scan3A_30  : i32 {
      %broadcast_in_dim3A = arith.constant 1.000000e+00 : f32
      %broadcast_in_dim3A_44 = vector.broadcast %broadcast_in_dim3A : f32 to vector<16xf32>
      %swap3A = arith.index_cast %scan3A_43 : i32 to index
      %swap3A_45 = arith.constant 0 : index
      %swap3A_46 = tpu.vector_load %arg5[%swap3A, %swap3A_45] {strides = array<i32>} : memref<128x16xf32, #tpu.memory_space<vmem>>, vector<1x16xf32>,
      %swap3A_47 = vector.shape_cast %swap3A_46 : vector<1x16xf32> to vector<16xf32>
      %swap3A_48 = vector.shape_cast %broadcast_in_dim3A_44 : vector<16xf32> to vector<1x16xf32>
      tpu.vector_store %arg5[%swap3A, %swap3A_45], %swap3A_48 {strides = array<i32>} : memref<128x16xf32, #tpu.memory_space<vmem>>, vector<1x16xf32>,
    }
    %scan3A_31 = arith.constant 128 : i32
    "tpu.region"() ({
      %run_scoped3A = tpu.sem_alloc : memref<!tpu.dma_semaphore, #tpu.memory_space<semaphore_mem>>
      %dma_start3A = arith.constant 0 : i32
      %dma_start3A_43 = arith.constant 0 : i32
      %dma_start3A_44 = tpu.memref_slice %arg2[%add3A, %dma_start3A, %dma_start3A_43] : memref<32x80x128xi32, #tpu.memory_space<hbm>> -> memref<1x80x128xi32, #tpu.memory_space<hbm>>
      %dma_start3A_45 = tpu.memref_squeeze %dma_start3A_44 : memref<1x80x128xi32, #tpu.memory_space<hbm>> -> memref<80x128xi32, #tpu.memory_space<hbm>>
      %dma_start3A_46 = arith.constant 0 : i32
      %dma_start3A_47 = arith.constant 0 : i32
      %dma_start3A_48 = tpu.memref_slice %arg2[%add3A, %dma_start3A_46, %dma_start3A_47] : memref<32x80x128xi32, #tpu.memory_space<hbm>> -> memref<1x80x128xi32, #tpu.memory_space<hbm>>
      %dma_start3A_49 = tpu.memref_squeeze %dma_start3A_48 : memref<1x80x128xi32, #tpu.memory_space<hbm>> -> memref<80x128xi32, #tpu.memory_space<hbm>>
      tpu.enqueue_dma source(%dma_start3A_49 : memref<80x128xi32, #tpu.memory_space<hbm>>) target(%arg4 : memref<80x128xi32, #tpu.memory_space<vmem>>) target_semaphore(%run_scoped3A : memref<!tpu.dma_semaphore, #tpu.memory_space<semaphore_mem>>)
      %dma_wait3A = arith.constant 0 : i32
      %dma_wait3A_50 = arith.constant 0 : i32
      %dma_wait3A_51 = tpu.memref_slice %arg2[%add3A, %dma_wait3A, %dma_wait3A_50] : memref<32x80x128xi32, #tpu.memory_space<hbm>> -> memref<1x80x128xi32, #tpu.memory_space<hbm>>
      %dma_wait3A_52 = tpu.memref_squeeze %dma_wait3A_51 : memref<1x80x128xi32, #tpu.memory_space<hbm>> -> memref<80x128xi32, #tpu.memory_space<hbm>>
      %dma_wait3A_53 = arith.constant 0 : i32
      %dma_wait3A_54 = arith.constant 0 : i32
      %dma_wait3A_55 = tpu.memref_slice %arg2[%add3A, %dma_wait3A_53, %dma_wait3A_54] : memref<32x80x128xi32, #tpu.memory_space<hbm>> -> memref<1x80x128xi32, #tpu.memory_space<hbm>>
      %dma_wait3A_56 = tpu.memref_squeeze %dma_wait3A_55 : memref<1x80x128xi32, #tpu.memory_space<hbm>> -> memref<80x128xi32, #tpu.memory_space<hbm>>
      tpu.wait_dma2 semaphore(%run_scoped3A : memref<!tpu.dma_semaphore, #tpu.memory_space<semaphore_mem>>) src(%dma_wait3A_56 : memref<80x128xi32, #tpu.memory_space<hbm>>) dst(%arg4 : memref<80x128xi32, #tpu.memory_space<vmem>>)
      tpu.yield
    }) : () -> ()
    %barrier3A = arith.constant 0 : index
    tpu.barrier barrier_id(%barrier3A)
    %scan3A_32 = arith.constant 0 : i32
    %scan3A_33 = arith.constant 0 : i32
    %scan3A_34 = arith.constant 5 : i32
    %scan3A_35 = arith.addi %scan3A_33, %scan3A_34 : i32
    %scan3A_36 = arith.constant 1 : i32
    scf.for %scan3A_43 = %scan3A_33 to %scan3A_35 step %scan3A_36  : i32 {
      %scan3A_44 = arith.constant 0 : i32
      %scan3A_45 = arith.constant 0 : i32
      %scan3A_46 = arith.constant 16 : i32
      %scan3A_47 = arith.addi %scan3A_45, %scan3A_46 : i32
      %scan3A_48 = arith.constant 1 : i32
      scf.for %scan3A_56 = %scan3A_45 to %scan3A_47 step %scan3A_48  : i32 {
        %mul3A_57 = arith.constant 16 : i32
        %mul3A_58 = arith.muli %scan3A_43, %mul3A_57 : i32
        %add3A_59 = arith.addi %mul3A_58, %scan3A_56 : i32
        %dma_start3A = arith.constant 0 : i32
        %dma_start3A_60 = tpu.memref_slice %arg4[%add3A_59, %dma_start3A] : memref<80x128xi32, #tpu.memory_space<vmem>> -> memref<1x128xi32, #tpu.memory_space<vmem>>
        %dma_start3A_61 = tpu.memref_squeeze %dma_start3A_60 : memref<1x128xi32, #tpu.memory_space<vmem>> -> memref<128xi32, #tpu.memory_space<vmem>>
        %dma_start3A_62 = arith.constant 0 : i32
        %dma_start3A_63 = arith.constant 0 : i32
        %dma_start3A_64 = tpu.memref_slice %arg6[%dma_start3A_62, %dma_start3A_63] : memref<10240x16xf32, #tpu.memory_space<vmem_shared>> -> memref<10240x16xf32, #tpu.memory_space<vmem_shared>>
        tpu.enqueue_indirect_dma source(%arg5 : memref<128x16xf32, #tpu.memory_space<vmem>>) target(%dma_start3A_64 : memref<10240x16xf32, #tpu.memory_space<vmem_shared>>) offsets(%dma_start3A_61 : memref<128xi32, #tpu.memory_space<vmem>>) semaphore(%arg7 : memref<!tpu.dma_semaphore, #tpu.memory_space<semaphore_mem>>) {add = true}
      }
      %scan3A_49 = arith.constant 16 : i32
      %scan3A_50 = arith.constant 0 : i32
      %scan3A_51 = arith.constant 0 : i32
      %scan3A_52 = arith.constant 16 : i32
      %scan3A_53 = arith.addi %scan3A_51, %scan3A_52 : i32
      %scan3A_54 = arith.constant 1 : i32
      scf.for %scan3A_56 = %scan3A_51 to %scan3A_53 step %scan3A_54  : i32 {
        %dma_wait3A = arith.constant 0 : i32
        %dma_wait3A_57 = arith.constant 0 : i32
        %dma_wait3A_58 = tpu.memref_slice %arg4[%dma_wait3A, %dma_wait3A_57] : memref<80x128xi32, #tpu.memory_space<vmem>> -> memref<1x128xi32, #tpu.memory_space<vmem>>
        %dma_wait3A_59 = tpu.memref_squeeze %dma_wait3A_58 : memref<1x128xi32, #tpu.memory_space<vmem>> -> memref<128xi32, #tpu.memory_space<vmem>>
        %dma_wait3A_60 = arith.constant 0 : i32
        %dma_wait3A_61 = arith.constant 0 : i32
        %dma_wait3A_62 = tpu.memref_slice %arg6[%dma_wait3A_60, %dma_wait3A_61] : memref<10240x16xf32, #tpu.memory_space<vmem_shared>> -> memref<10240x16xf32, #tpu.memory_space<vmem_shared>>
        tpu.wait_indirect_dma semaphore(%arg7 : memref<!tpu.dma_semaphore, #tpu.memory_space<semaphore_mem>>) src(%arg5 : memref<128x16xf32, #tpu.memory_space<vmem>>) dst(%dma_wait3A_62 : memref<10240x16xf32, #tpu.memory_space<vmem_shared>>)
      }
      %scan3A_55 = arith.constant 16 : i32
    }
    %scan3A_37 = arith.constant 5 : i32
    %barrier3A_38 = arith.constant 0 : index
    tpu.barrier barrier_id(%barrier3A_38)
    %mul3A_39 = arith.constant 640 : i32
    %mul3A_40 = arith.muli %arg1, %mul3A_39 : i32
    %mul3A_41 = arith.constant 640 : i32
    %mul3A_42 = arith.muli %arg1, %mul3A_41 : i32
    "tpu.region"() ({
      %run_scoped3A = tpu.sem_alloc : memref<!tpu.dma_semaphore, #tpu.memory_space<semaphore_mem>>
      %dma_start3A = arith.constant 0 : i32
      %dma_start3A_43 = tpu.memref_slice %arg3[%arg0, %mul3A_42, %dma_start3A] : memref<2x10240x16xf32, #tpu.memory_space<hbm>> -> memref<1x640x16xf32, #tpu.memory_space<hbm>>
      %dma_start3A_44 = tpu.memref_squeeze %dma_start3A_43 : memref<1x640x16xf32, #tpu.memory_space<hbm>> -> memref<640x16xf32, #tpu.memory_space<hbm>>
      %dma_start3A_45 = arith.constant 0 : i32
      %dma_start3A_46 = tpu.memref_slice %arg6[%mul3A_40, %dma_start3A_45] : memref<10240x16xf32, #tpu.memory_space<vmem_shared>> -> memref<640x16xf32, #tpu.memory_space<vmem_shared>>
      tpu.enqueue_dma source(%dma_start3A_46 : memref<640x16xf32, #tpu.memory_space<vmem_shared>>) target(%dma_start3A_44 : memref<640x16xf32, #tpu.memory_space<hbm>>) target_semaphore(%run_scoped3A : memref<!tpu.dma_semaphore, #tpu.memory_space<semaphore_mem>>)
      %dma_wait3A = arith.constant 0 : i32
      %dma_wait3A_47 = tpu.memref_slice %arg3[%arg0, %mul3A_42, %dma_wait3A] : memref<2x10240x16xf32, #tpu.memory_space<hbm>> -> memref<1x640x16xf32, #tpu.memory_space<hbm>>
      %dma_wait3A_48 = tpu.memref_squeeze %dma_wait3A_47 : memref<1x640x16xf32, #tpu.memory_space<hbm>> -> memref<640x16xf32, #tpu.memory_space<hbm>>
      %dma_wait3A_49 = arith.constant 0 : i32
      %dma_wait3A_50 = tpu.memref_slice %arg6[%mul3A_40, %dma_wait3A_49] : memref<10240x16xf32, #tpu.memory_space<vmem_shared>> -> memref<640x16xf32, #tpu.memory_space<vmem_shared>>
      tpu.wait_dma2 semaphore(%run_scoped3A : memref<!tpu.dma_semaphore, #tpu.memory_space<semaphore_mem>>) src(%dma_wait3A_50 : memref<640x16xf32, #tpu.memory_space<vmem_shared>>) dst(%dma_wait3A_48 : memref<640x16xf32, #tpu.memory_space<hbm>>)
      tpu.yield
    }) : () -> ()
    return
  }
}

#map = affine_map<(d0, d1) -> (0, 0, 0)>
#map1 = affine_map<(d0, d1) -> (0, 0)>
module attributes {stable_mosaic.version = 14 : i64} {
  func.func @_gs_body(%arg0: i32, %arg1: i32, %arg2: memref<32x80x128xi32, #tpu.memory_space<hbm>>, %arg3: memref<32x80x128xi32, #tpu.memory_space<hbm>>, %arg4: memref<10240x128xf32, #tpu.memory_space<hbm>>, %arg5: memref<2x10240x128xf32, #tpu.memory_space<hbm>>, %arg6: memref<16x128xi32, #tpu.memory_space<vmem>>, %arg7: memref<16x128xi32, #tpu.memory_space<vmem>>, %arg8: memref<128x128xf32, #tpu.memory_space<vmem>>, %arg9: memref<128x128xf32, #tpu.memory_space<vmem>>, %arg10: memref<10240x128xf32, #tpu.memory_space<vmem_shared>>, %arg11: memref<!tpu.dma_semaphore, #tpu.memory_space<semaphore_mem>>, %arg12: memref<!tpu.dma_semaphore, #tpu.memory_space<semaphore_mem>>) attributes {dimension_semantics = [#tpu.dimension_semantics<core_parallel>, #tpu.dimension_semantics<subcore_parallel>], iteration_bounds = array<i64: 2, 16>, scalar_prefetch = 0 : i64, scratch_operands = 7 : i64, tpu.core_type = #tpu.core_type<sc_vector_subcore>, window_params = [{transform_indices = #map}, {transform_indices = #map}, {transform_indices = #map1}, {transform_indices = #map}]} {
    %mul3A = arith.constant 2 : i32
    %mul3A_0 = arith.muli %arg1, %mul3A : i32
    %add3A = arith.addi %mul3A_0, %arg0 : i32
    %scan3A = arith.constant 0 : i32
    %scan3A_1 = arith.constant 0 : i32
    %scan3A_2 = arith.constant 128 : i32
    %scan3A_3 = arith.addi %scan3A_1, %scan3A_2 : i32
    %scan3A_4 = arith.constant 1 : i32
    scf.for %scan3A_37 = %scan3A_1 to %scan3A_3 step %scan3A_4  : i32 {
      %broadcast_in_dim3A = arith.constant 0.000000e+00 : f32
      %broadcast_in_dim3A_38 = vector.broadcast %broadcast_in_dim3A : f32 to vector<16xf32>
      %swap3A = arith.index_cast %scan3A_37 : i32 to index
      %swap3A_39 = arith.constant 0 : index
      %swap3A_40 = tpu.vector_load %arg8[%swap3A, %swap3A_39] {strides = array<i32>} : memref<128x128xf32, #tpu.memory_space<vmem>>, vector<1x16xf32>,
      %swap3A_41 = vector.shape_cast %swap3A_40 : vector<1x16xf32> to vector<16xf32>
      %swap3A_42 = vector.shape_cast %broadcast_in_dim3A_38 : vector<16xf32> to vector<1x16xf32>
      tpu.vector_store %arg8[%swap3A, %swap3A_39], %swap3A_42 {strides = array<i32>} : memref<128x128xf32, #tpu.memory_space<vmem>>, vector<1x16xf32>,
      %broadcast_in_dim3A_43 = arith.constant 0.000000e+00 : f32
      %broadcast_in_dim3A_44 = vector.broadcast %broadcast_in_dim3A_43 : f32 to vector<16xf32>
      %swap3A_45 = arith.index_cast %scan3A_37 : i32 to index
      %swap3A_46 = arith.constant 16 : index
      %swap3A_47 = tpu.vector_load %arg8[%swap3A_45, %swap3A_46] {strides = array<i32>} : memref<128x128xf32, #tpu.memory_space<vmem>>, vector<1x16xf32>,
      %swap3A_48 = vector.shape_cast %swap3A_47 : vector<1x16xf32> to vector<16xf32>
      %swap3A_49 = vector.shape_cast %broadcast_in_dim3A_44 : vector<16xf32> to vector<1x16xf32>
      tpu.vector_store %arg8[%swap3A_45, %swap3A_46], %swap3A_49 {strides = array<i32>} : memref<128x128xf32, #tpu.memory_space<vmem>>, vector<1x16xf32>,
      %broadcast_in_dim3A_50 = arith.constant 0.000000e+00 : f32
      %broadcast_in_dim3A_51 = vector.broadcast %broadcast_in_dim3A_50 : f32 to vector<16xf32>
      %swap3A_52 = arith.index_cast %scan3A_37 : i32 to index
      %swap3A_53 = arith.constant 32 : index
      %swap3A_54 = tpu.vector_load %arg8[%swap3A_52, %swap3A_53] {strides = array<i32>} : memref<128x128xf32, #tpu.memory_space<vmem>>, vector<1x16xf32>,
      %swap3A_55 = vector.shape_cast %swap3A_54 : vector<1x16xf32> to vector<16xf32>
      %swap3A_56 = vector.shape_cast %broadcast_in_dim3A_51 : vector<16xf32> to vector<1x16xf32>
      tpu.vector_store %arg8[%swap3A_52, %swap3A_53], %swap3A_56 {strides = array<i32>} : memref<128x128xf32, #tpu.memory_space<vmem>>, vector<1x16xf32>,
      %broadcast_in_dim3A_57 = arith.constant 0.000000e+00 : f32
      %broadcast_in_dim3A_58 = vector.broadcast %broadcast_in_dim3A_57 : f32 to vector<16xf32>
      %swap3A_59 = arith.index_cast %scan3A_37 : i32 to index
      %swap3A_60 = arith.constant 48 : index
      %swap3A_61 = tpu.vector_load %arg8[%swap3A_59, %swap3A_60] {strides = array<i32>} : memref<128x128xf32, #tpu.memory_space<vmem>>, vector<1x16xf32>,
      %swap3A_62 = vector.shape_cast %swap3A_61 : vector<1x16xf32> to vector<16xf32>
      %swap3A_63 = vector.shape_cast %broadcast_in_dim3A_58 : vector<16xf32> to vector<1x16xf32>
      tpu.vector_store %arg8[%swap3A_59, %swap3A_60], %swap3A_63 {strides = array<i32>} : memref<128x128xf32, #tpu.memory_space<vmem>>, vector<1x16xf32>,
      %broadcast_in_dim3A_64 = arith.constant 0.000000e+00 : f32
      %broadcast_in_dim3A_65 = vector.broadcast %broadcast_in_dim3A_64 : f32 to vector<16xf32>
      %swap3A_66 = arith.index_cast %scan3A_37 : i32 to index
      %swap3A_67 = arith.constant 64 : index
      %swap3A_68 = tpu.vector_load %arg8[%swap3A_66, %swap3A_67] {strides = array<i32>} : memref<128x128xf32, #tpu.memory_space<vmem>>, vector<1x16xf32>,
      %swap3A_69 = vector.shape_cast %swap3A_68 : vector<1x16xf32> to vector<16xf32>
      %swap3A_70 = vector.shape_cast %broadcast_in_dim3A_65 : vector<16xf32> to vector<1x16xf32>
      tpu.vector_store %arg8[%swap3A_66, %swap3A_67], %swap3A_70 {strides = array<i32>} : memref<128x128xf32, #tpu.memory_space<vmem>>, vector<1x16xf32>,
      %broadcast_in_dim3A_71 = arith.constant 0.000000e+00 : f32
      %broadcast_in_dim3A_72 = vector.broadcast %broadcast_in_dim3A_71 : f32 to vector<16xf32>
      %swap3A_73 = arith.index_cast %scan3A_37 : i32 to index
      %swap3A_74 = arith.constant 80 : index
      %swap3A_75 = tpu.vector_load %arg8[%swap3A_73, %swap3A_74] {strides = array<i32>} : memref<128x128xf32, #tpu.memory_space<vmem>>, vector<1x16xf32>,
      %swap3A_76 = vector.shape_cast %swap3A_75 : vector<1x16xf32> to vector<16xf32>
      %swap3A_77 = vector.shape_cast %broadcast_in_dim3A_72 : vector<16xf32> to vector<1x16xf32>
      tpu.vector_store %arg8[%swap3A_73, %swap3A_74], %swap3A_77 {strides = array<i32>} : memref<128x128xf32, #tpu.memory_space<vmem>>, vector<1x16xf32>,
      %broadcast_in_dim3A_78 = arith.constant 0.000000e+00 : f32
      %broadcast_in_dim3A_79 = vector.broadcast %broadcast_in_dim3A_78 : f32 to vector<16xf32>
      %swap3A_80 = arith.index_cast %scan3A_37 : i32 to index
      %swap3A_81 = arith.constant 96 : index
      %swap3A_82 = tpu.vector_load %arg8[%swap3A_80, %swap3A_81] {strides = array<i32>} : memref<128x128xf32, #tpu.memory_space<vmem>>, vector<1x16xf32>,
      %swap3A_83 = vector.shape_cast %swap3A_82 : vector<1x16xf32> to vector<16xf32>
      %swap3A_84 = vector.shape_cast %broadcast_in_dim3A_79 : vector<16xf32> to vector<1x16xf32>
      tpu.vector_store %arg8[%swap3A_80, %swap3A_81], %swap3A_84 {strides = array<i32>} : memref<128x128xf32, #tpu.memory_space<vmem>>, vector<1x16xf32>,
      %broadcast_in_dim3A_85 = arith.constant 0.000000e+00 : f32
      %broadcast_in_dim3A_86 = vector.broadcast %broadcast_in_dim3A_85 : f32 to vector<16xf32>
      %swap3A_87 = arith.index_cast %scan3A_37 : i32 to index
      %swap3A_88 = arith.constant 112 : index
      %swap3A_89 = tpu.vector_load %arg8[%swap3A_87, %swap3A_88] {strides = array<i32>} : memref<128x128xf32, #tpu.memory_space<vmem>>, vector<1x16xf32>,
      %swap3A_90 = vector.shape_cast %swap3A_89 : vector<1x16xf32> to vector<16xf32>
      %swap3A_91 = vector.shape_cast %broadcast_in_dim3A_86 : vector<16xf32> to vector<1x16xf32>
      tpu.vector_store %arg8[%swap3A_87, %swap3A_88], %swap3A_91 {strides = array<i32>} : memref<128x128xf32, #tpu.memory_space<vmem>>, vector<1x16xf32>,
    }
    %scan3A_5 = arith.constant 128 : i32
    %mul3A_6 = arith.constant 640 : i32
    %mul3A_7 = arith.muli %arg1, %mul3A_6 : i32
    %add3A_8 = arith.constant 0 : i32
    %add3A_9 = arith.addi %mul3A_7, %add3A_8 : i32
    "tpu.region"() ({
      %run_scoped3A = tpu.sem_alloc : memref<!tpu.dma_semaphore, #tpu.memory_space<semaphore_mem>>
      %dma_start3A = arith.constant 0 : i32
      %dma_start3A_37 = tpu.memref_slice %arg10[%add3A_9, %dma_start3A] : memref<10240x128xf32, #tpu.memory_space<vmem_shared>> -> memref<128x128xf32, #tpu.memory_space<vmem_shared>>
      %dma_start3A_38 = arith.constant 0 : i32
      %dma_start3A_39 = tpu.memref_slice %arg10[%add3A_9, %dma_start3A_38] : memref<10240x128xf32, #tpu.memory_space<vmem_shared>> -> memref<128x128xf32, #tpu.memory_space<vmem_shared>>
      tpu.enqueue_dma source(%arg8 : memref<128x128xf32, #tpu.memory_space<vmem>>) target(%dma_start3A_39 : memref<128x128xf32, #tpu.memory_space<vmem_shared>>) target_semaphore(%run_scoped3A : memref<!tpu.dma_semaphore, #tpu.memory_space<semaphore_mem>>)
      %dma_wait3A = arith.constant 0 : i32
      %dma_wait3A_40 = tpu.memref_slice %arg10[%add3A_9, %dma_wait3A] : memref<10240x128xf32, #tpu.memory_space<vmem_shared>> -> memref<128x128xf32, #tpu.memory_space<vmem_shared>>
      %dma_wait3A_41 = arith.constant 0 : i32
      %dma_wait3A_42 = tpu.memref_slice %arg10[%add3A_9, %dma_wait3A_41] : memref<10240x128xf32, #tpu.memory_space<vmem_shared>> -> memref<128x128xf32, #tpu.memory_space<vmem_shared>>
      tpu.wait_dma2 semaphore(%run_scoped3A : memref<!tpu.dma_semaphore, #tpu.memory_space<semaphore_mem>>) src(%arg8 : memref<128x128xf32, #tpu.memory_space<vmem>>) dst(%dma_wait3A_42 : memref<128x128xf32, #tpu.memory_space<vmem_shared>>)
      tpu.yield
    }) : () -> ()
    %mul3A_10 = arith.constant 640 : i32
    %mul3A_11 = arith.muli %arg1, %mul3A_10 : i32
    %add3A_12 = arith.constant 128 : i32
    %add3A_13 = arith.addi %mul3A_11, %add3A_12 : i32
    "tpu.region"() ({
      %run_scoped3A = tpu.sem_alloc : memref<!tpu.dma_semaphore, #tpu.memory_space<semaphore_mem>>
      %dma_start3A = arith.constant 0 : i32
      %dma_start3A_37 = tpu.memref_slice %arg10[%add3A_13, %dma_start3A] : memref<10240x128xf32, #tpu.memory_space<vmem_shared>> -> memref<128x128xf32, #tpu.memory_space<vmem_shared>>
      %dma_start3A_38 = arith.constant 0 : i32
      %dma_start3A_39 = tpu.memref_slice %arg10[%add3A_13, %dma_start3A_38] : memref<10240x128xf32, #tpu.memory_space<vmem_shared>> -> memref<128x128xf32, #tpu.memory_space<vmem_shared>>
      tpu.enqueue_dma source(%arg8 : memref<128x128xf32, #tpu.memory_space<vmem>>) target(%dma_start3A_39 : memref<128x128xf32, #tpu.memory_space<vmem_shared>>) target_semaphore(%run_scoped3A : memref<!tpu.dma_semaphore, #tpu.memory_space<semaphore_mem>>)
      %dma_wait3A = arith.constant 0 : i32
      %dma_wait3A_40 = tpu.memref_slice %arg10[%add3A_13, %dma_wait3A] : memref<10240x128xf32, #tpu.memory_space<vmem_shared>> -> memref<128x128xf32, #tpu.memory_space<vmem_shared>>
      %dma_wait3A_41 = arith.constant 0 : i32
      %dma_wait3A_42 = tpu.memref_slice %arg10[%add3A_13, %dma_wait3A_41] : memref<10240x128xf32, #tpu.memory_space<vmem_shared>> -> memref<128x128xf32, #tpu.memory_space<vmem_shared>>
      tpu.wait_dma2 semaphore(%run_scoped3A : memref<!tpu.dma_semaphore, #tpu.memory_space<semaphore_mem>>) src(%arg8 : memref<128x128xf32, #tpu.memory_space<vmem>>) dst(%dma_wait3A_42 : memref<128x128xf32, #tpu.memory_space<vmem_shared>>)
      tpu.yield
    }) : () -> ()
    %mul3A_14 = arith.constant 640 : i32
    %mul3A_15 = arith.muli %arg1, %mul3A_14 : i32
    %add3A_16 = arith.constant 256 : i32
    %add3A_17 = arith.addi %mul3A_15, %add3A_16 : i32
    "tpu.region"() ({
      %run_scoped3A = tpu.sem_alloc : memref<!tpu.dma_semaphore, #tpu.memory_space<semaphore_mem>>
      %dma_start3A = arith.constant 0 : i32
      %dma_start3A_37 = tpu.memref_slice %arg10[%add3A_17, %dma_start3A] : memref<10240x128xf32, #tpu.memory_space<vmem_shared>> -> memref<128x128xf32, #tpu.memory_space<vmem_shared>>
      %dma_start3A_38 = arith.constant 0 : i32
      %dma_start3A_39 = tpu.memref_slice %arg10[%add3A_17, %dma_start3A_38] : memref<10240x128xf32, #tpu.memory_space<vmem_shared>> -> memref<128x128xf32, #tpu.memory_space<vmem_shared>>
      tpu.enqueue_dma source(%arg8 : memref<128x128xf32, #tpu.memory_space<vmem>>) target(%dma_start3A_39 : memref<128x128xf32, #tpu.memory_space<vmem_shared>>) target_semaphore(%run_scoped3A : memref<!tpu.dma_semaphore, #tpu.memory_space<semaphore_mem>>)
      %dma_wait3A = arith.constant 0 : i32
      %dma_wait3A_40 = tpu.memref_slice %arg10[%add3A_17, %dma_wait3A] : memref<10240x128xf32, #tpu.memory_space<vmem_shared>> -> memref<128x128xf32, #tpu.memory_space<vmem_shared>>
      %dma_wait3A_41 = arith.constant 0 : i32
      %dma_wait3A_42 = tpu.memref_slice %arg10[%add3A_17, %dma_wait3A_41] : memref<10240x128xf32, #tpu.memory_space<vmem_shared>> -> memref<128x128xf32, #tpu.memory_space<vmem_shared>>
      tpu.wait_dma2 semaphore(%run_scoped3A : memref<!tpu.dma_semaphore, #tpu.memory_space<semaphore_mem>>) src(%arg8 : memref<128x128xf32, #tpu.memory_space<vmem>>) dst(%dma_wait3A_42 : memref<128x128xf32, #tpu.memory_space<vmem_shared>>)
      tpu.yield
    }) : () -> ()
    %mul3A_18 = arith.constant 640 : i32
    %mul3A_19 = arith.muli %arg1, %mul3A_18 : i32
    %add3A_20 = arith.constant 384 : i32
    %add3A_21 = arith.addi %mul3A_19, %add3A_20 : i32
    "tpu.region"() ({
      %run_scoped3A = tpu.sem_alloc : memref<!tpu.dma_semaphore, #tpu.memory_space<semaphore_mem>>
      %dma_start3A = arith.constant 0 : i32
      %dma_start3A_37 = tpu.memref_slice %arg10[%add3A_21, %dma_start3A] : memref<10240x128xf32, #tpu.memory_space<vmem_shared>> -> memref<128x128xf32, #tpu.memory_space<vmem_shared>>
      %dma_start3A_38 = arith.constant 0 : i32
      %dma_start3A_39 = tpu.memref_slice %arg10[%add3A_21, %dma_start3A_38] : memref<10240x128xf32, #tpu.memory_space<vmem_shared>> -> memref<128x128xf32, #tpu.memory_space<vmem_shared>>
      tpu.enqueue_dma source(%arg8 : memref<128x128xf32, #tpu.memory_space<vmem>>) target(%dma_start3A_39 : memref<128x128xf32, #tpu.memory_space<vmem_shared>>) target_semaphore(%run_scoped3A : memref<!tpu.dma_semaphore, #tpu.memory_space<semaphore_mem>>)
      %dma_wait3A = arith.constant 0 : i32
      %dma_wait3A_40 = tpu.memref_slice %arg10[%add3A_21, %dma_wait3A] : memref<10240x128xf32, #tpu.memory_space<vmem_shared>> -> memref<128x128xf32, #tpu.memory_space<vmem_shared>>
      %dma_wait3A_41 = arith.constant 0 : i32
      %dma_wait3A_42 = tpu.memref_slice %arg10[%add3A_21, %dma_wait3A_41] : memref<10240x128xf32, #tpu.memory_space<vmem_shared>> -> memref<128x128xf32, #tpu.memory_space<vmem_shared>>
      tpu.wait_dma2 semaphore(%run_scoped3A : memref<!tpu.dma_semaphore, #tpu.memory_space<semaphore_mem>>) src(%arg8 : memref<128x128xf32, #tpu.memory_space<vmem>>) dst(%dma_wait3A_42 : memref<128x128xf32, #tpu.memory_space<vmem_shared>>)
      tpu.yield
    }) : () -> ()
    %mul3A_22 = arith.constant 640 : i32
    %mul3A_23 = arith.muli %arg1, %mul3A_22 : i32
    %add3A_24 = arith.constant 512 : i32
    %add3A_25 = arith.addi %mul3A_23, %add3A_24 : i32
    "tpu.region"() ({
      %run_scoped3A = tpu.sem_alloc : memref<!tpu.dma_semaphore, #tpu.memory_space<semaphore_mem>>
      %dma_start3A = arith.constant 0 : i32
      %dma_start3A_37 = tpu.memref_slice %arg10[%add3A_25, %dma_start3A] : memref<10240x128xf32, #tpu.memory_space<vmem_shared>> -> memref<128x128xf32, #tpu.memory_space<vmem_shared>>
      %dma_start3A_38 = arith.constant 0 : i32
      %dma_start3A_39 = tpu.memref_slice %arg10[%add3A_25, %dma_start3A_38] : memref<10240x128xf32, #tpu.memory_space<vmem_shared>> -> memref<128x128xf32, #tpu.memory_space<vmem_shared>>
      tpu.enqueue_dma source(%arg8 : memref<128x128xf32, #tpu.memory_space<vmem>>) target(%dma_start3A_39 : memref<128x128xf32, #tpu.memory_space<vmem_shared>>) target_semaphore(%run_scoped3A : memref<!tpu.dma_semaphore, #tpu.memory_space<semaphore_mem>>)
      %dma_wait3A = arith.constant 0 : i32
      %dma_wait3A_40 = tpu.memref_slice %arg10[%add3A_25, %dma_wait3A] : memref<10240x128xf32, #tpu.memory_space<vmem_shared>> -> memref<128x128xf32, #tpu.memory_space<vmem_shared>>
      %dma_wait3A_41 = arith.constant 0 : i32
      %dma_wait3A_42 = tpu.memref_slice %arg10[%add3A_25, %dma_wait3A_41] : memref<10240x128xf32, #tpu.memory_space<vmem_shared>> -> memref<128x128xf32, #tpu.memory_space<vmem_shared>>
      tpu.wait_dma2 semaphore(%run_scoped3A : memref<!tpu.dma_semaphore, #tpu.memory_space<semaphore_mem>>) src(%arg8 : memref<128x128xf32, #tpu.memory_space<vmem>>) dst(%dma_wait3A_42 : memref<128x128xf32, #tpu.memory_space<vmem_shared>>)
      tpu.yield
    }) : () -> ()
    %barrier3A = arith.constant 0 : index
    tpu.barrier barrier_id(%barrier3A)
    %scan3A_26 = arith.constant 0 : i32
    %scan3A_27 = arith.constant 0 : i32
    %scan3A_28 = arith.constant 5 : i32
    %scan3A_29 = arith.addi %scan3A_27, %scan3A_28 : i32
    %scan3A_30 = arith.constant 1 : i32
    scf.for %scan3A_37 = %scan3A_27 to %scan3A_29 step %scan3A_30  : i32 {
      %mul3A_38 = arith.constant 16 : i32
      %mul3A_39 = arith.muli %scan3A_37, %mul3A_38 : i32
      "tpu.region"() ({
        %run_scoped3A = tpu.sem_alloc : memref<!tpu.dma_semaphore, #tpu.memory_space<semaphore_mem>>
        %dma_start3A_54 = arith.constant 0 : i32
        %dma_start3A_55 = tpu.memref_slice %arg2[%add3A, %mul3A_39, %dma_start3A_54] : memref<32x80x128xi32, #tpu.memory_space<hbm>> -> memref<1x16x128xi32, #tpu.memory_space<hbm>>
        %dma_start3A_56 = tpu.memref_squeeze %dma_start3A_55 : memref<1x16x128xi32, #tpu.memory_space<hbm>> -> memref<16x128xi32, #tpu.memory_space<hbm>>
        %dma_start3A_57 = arith.constant 0 : i32
        %dma_start3A_58 = tpu.memref_slice %arg2[%add3A, %mul3A_39, %dma_start3A_57] : memref<32x80x128xi32, #tpu.memory_space<hbm>> -> memref<1x16x128xi32, #tpu.memory_space<hbm>>
        %dma_start3A_59 = tpu.memref_squeeze %dma_start3A_58 : memref<1x16x128xi32, #tpu.memory_space<hbm>> -> memref<16x128xi32, #tpu.memory_space<hbm>>
        tpu.enqueue_dma source(%dma_start3A_59 : memref<16x128xi32, #tpu.memory_space<hbm>>) target(%arg6 : memref<16x128xi32, #tpu.memory_space<vmem>>) target_semaphore(%run_scoped3A : memref<!tpu.dma_semaphore, #tpu.memory_space<semaphore_mem>>)
        %dma_wait3A = arith.constant 0 : i32
        %dma_wait3A_60 = tpu.memref_slice %arg2[%add3A, %mul3A_39, %dma_wait3A] : memref<32x80x128xi32, #tpu.memory_space<hbm>> -> memref<1x16x128xi32, #tpu.memory_space<hbm>>
        %dma_wait3A_61 = tpu.memref_squeeze %dma_wait3A_60 : memref<1x16x128xi32, #tpu.memory_space<hbm>> -> memref<16x128xi32, #tpu.memory_space<hbm>>
        %dma_wait3A_62 = arith.constant 0 : i32
        %dma_wait3A_63 = tpu.memref_slice %arg2[%add3A, %mul3A_39, %dma_wait3A_62] : memref<32x80x128xi32, #tpu.memory_space<hbm>> -> memref<1x16x128xi32, #tpu.memory_space<hbm>>
        %dma_wait3A_64 = tpu.memref_squeeze %dma_wait3A_63 : memref<1x16x128xi32, #tpu.memory_space<hbm>> -> memref<16x128xi32, #tpu.memory_space<hbm>>
        tpu.wait_dma2 semaphore(%run_scoped3A : memref<!tpu.dma_semaphore, #tpu.memory_space<semaphore_mem>>) src(%dma_wait3A_64 : memref<16x128xi32, #tpu.memory_space<hbm>>) dst(%arg6 : memref<16x128xi32, #tpu.memory_space<vmem>>)
        tpu.yield
      }) : () -> ()
      %mul3A_40 = arith.constant 16 : i32
      %mul3A_41 = arith.muli %scan3A_37, %mul3A_40 : i32
      "tpu.region"() ({
        %run_scoped3A = tpu.sem_alloc : memref<!tpu.dma_semaphore, #tpu.memory_space<semaphore_mem>>
        %dma_start3A_54 = arith.constant 0 : i32
        %dma_start3A_55 = tpu.memref_slice %arg3[%add3A, %mul3A_41, %dma_start3A_54] : memref<32x80x128xi32, #tpu.memory_space<hbm>> -> memref<1x16x128xi32, #tpu.memory_space<hbm>>
        %dma_start3A_56 = tpu.memref_squeeze %dma_start3A_55 : memref<1x16x128xi32, #tpu.memory_space<hbm>> -> memref<16x128xi32, #tpu.memory_space<hbm>>
        %dma_start3A_57 = arith.constant 0 : i32
        %dma_start3A_58 = tpu.memref_slice %arg3[%add3A, %mul3A_41, %dma_start3A_57] : memref<32x80x128xi32, #tpu.memory_space<hbm>> -> memref<1x16x128xi32, #tpu.memory_space<hbm>>
        %dma_start3A_59 = tpu.memref_squeeze %dma_start3A_58 : memref<1x16x128xi32, #tpu.memory_space<hbm>> -> memref<16x128xi32, #tpu.memory_space<hbm>>
        tpu.enqueue_dma source(%dma_start3A_59 : memref<16x128xi32, #tpu.memory_space<hbm>>) target(%arg7 : memref<16x128xi32, #tpu.memory_space<vmem>>) target_semaphore(%run_scoped3A : memref<!tpu.dma_semaphore, #tpu.memory_space<semaphore_mem>>)
        %dma_wait3A = arith.constant 0 : i32
        %dma_wait3A_60 = tpu.memref_slice %arg3[%add3A, %mul3A_41, %dma_wait3A] : memref<32x80x128xi32, #tpu.memory_space<hbm>> -> memref<1x16x128xi32, #tpu.memory_space<hbm>>
        %dma_wait3A_61 = tpu.memref_squeeze %dma_wait3A_60 : memref<1x16x128xi32, #tpu.memory_space<hbm>> -> memref<16x128xi32, #tpu.memory_space<hbm>>
        %dma_wait3A_62 = arith.constant 0 : i32
        %dma_wait3A_63 = tpu.memref_slice %arg3[%add3A, %mul3A_41, %dma_wait3A_62] : memref<32x80x128xi32, #tpu.memory_space<hbm>> -> memref<1x16x128xi32, #tpu.memory_space<hbm>>
        %dma_wait3A_64 = tpu.memref_squeeze %dma_wait3A_63 : memref<1x16x128xi32, #tpu.memory_space<hbm>> -> memref<16x128xi32, #tpu.memory_space<hbm>>
        tpu.wait_dma2 semaphore(%run_scoped3A : memref<!tpu.dma_semaphore, #tpu.memory_space<semaphore_mem>>) src(%dma_wait3A_64 : memref<16x128xi32, #tpu.memory_space<hbm>>) dst(%arg7 : memref<16x128xi32, #tpu.memory_space<vmem>>)
        tpu.yield
      }) : () -> ()
      %dma_start3A = arith.constant 0 : i32
      %dma_start3A_42 = arith.constant 0 : i32
      %dma_start3A_43 = tpu.memref_slice %arg6[%dma_start3A, %dma_start3A_42] : memref<16x128xi32, #tpu.memory_space<vmem>> -> memref<1x128xi32, #tpu.memory_space<vmem>>
      %dma_start3A_44 = tpu.memref_squeeze %dma_start3A_43 : memref<1x128xi32, #tpu.memory_space<vmem>> -> memref<128xi32, #tpu.memory_space<vmem>>
      %dma_start3A_45 = arith.constant 0 : i32
      %dma_start3A_46 = arith.constant 0 : i32
      %dma_start3A_47 = tpu.memref_slice %arg4[%dma_start3A_45, %dma_start3A_46] : memref<10240x128xf32, #tpu.memory_space<hbm>> -> memref<10240x128xf32, #tpu.memory_space<hbm>>
      tpu.enqueue_indirect_dma source(%dma_start3A_47 : memref<10240x128xf32, #tpu.memory_space<hbm>>) target(%arg8 : memref<128x128xf32, #tpu.memory_space<vmem>>) offsets(%dma_start3A_44 : memref<128xi32, #tpu.memory_space<vmem>>) semaphore(%arg11 : memref<!tpu.dma_semaphore, #tpu.memory_space<semaphore_mem>>)
      %scan3A_48 = arith.constant 0 : i32
      %scan3A_49 = arith.constant 0 : i32
      %scan3A_50 = arith.constant 8 : i32
      %scan3A_51 = arith.addi %scan3A_49, %scan3A_50 : i32
      %scan3A_52 = arith.constant 1 : i32
      scf.for %scan3A_54 = %scan3A_49 to %scan3A_51 step %scan3A_52  : i32 {
        %mul3A_55 = arith.constant 2 : i32
        %mul3A_56 = arith.muli %scan3A_54, %mul3A_55 : i32
        %add3A_57 = arith.constant 1 : i32
        %add3A_58 = arith.addi %mul3A_56, %add3A_57 : i32
        %dma_start3A_59 = arith.constant 0 : i32
        %dma_start3A_60 = tpu.memref_slice %arg6[%add3A_58, %dma_start3A_59] : memref<16x128xi32, #tpu.memory_space<vmem>> -> memref<1x128xi32, #tpu.memory_space<vmem>>
        %dma_start3A_61 = tpu.memref_squeeze %dma_start3A_60 : memref<1x128xi32, #tpu.memory_space<vmem>> -> memref<128xi32, #tpu.memory_space<vmem>>
        %dma_start3A_62 = arith.constant 0 : i32
        %dma_start3A_63 = arith.constant 0 : i32
        %dma_start3A_64 = tpu.memref_slice %arg4[%dma_start3A_62, %dma_start3A_63] : memref<10240x128xf32, #tpu.memory_space<hbm>> -> memref<10240x128xf32, #tpu.memory_space<hbm>>
        tpu.enqueue_indirect_dma source(%dma_start3A_64 : memref<10240x128xf32, #tpu.memory_space<hbm>>) target(%arg9 : memref<128x128xf32, #tpu.memory_space<vmem>>) offsets(%dma_start3A_61 : memref<128xi32, #tpu.memory_space<vmem>>) semaphore(%arg12 : memref<!tpu.dma_semaphore, #tpu.memory_space<semaphore_mem>>)
        %dma_wait3A = arith.constant 0 : i32
        %dma_wait3A_65 = tpu.memref_slice %arg6[%mul3A_56, %dma_wait3A] : memref<16x128xi32, #tpu.memory_space<vmem>> -> memref<1x128xi32, #tpu.memory_space<vmem>>
        %dma_wait3A_66 = tpu.memref_squeeze %dma_wait3A_65 : memref<1x128xi32, #tpu.memory_space<vmem>> -> memref<128xi32, #tpu.memory_space<vmem>>
        %dma_wait3A_67 = arith.constant 0 : i32
        %dma_wait3A_68 = arith.constant 0 : i32
        %dma_wait3A_69 = tpu.memref_slice %arg4[%dma_wait3A_67, %dma_wait3A_68] : memref<10240x128xf32, #tpu.memory_space<hbm>> -> memref<10240x128xf32, #tpu.memory_space<hbm>>
        tpu.wait_indirect_dma semaphore(%arg11 : memref<!tpu.dma_semaphore, #tpu.memory_space<semaphore_mem>>) src(%dma_wait3A_69 : memref<10240x128xf32, #tpu.memory_space<hbm>>) dst(%arg8 : memref<128x128xf32, #tpu.memory_space<vmem>>)
        "tpu.region"() ({
          %run_scoped3A = tpu.sem_alloc : memref<!tpu.dma_semaphore, #tpu.memory_space<semaphore_mem>>
          %dma_start3A_84 = arith.constant 0 : i32
          %dma_start3A_85 = tpu.memref_slice %arg7[%mul3A_56, %dma_start3A_84] : memref<16x128xi32, #tpu.memory_space<vmem>> -> memref<1x128xi32, #tpu.memory_space<vmem>>
          %dma_start3A_86 = tpu.memref_squeeze %dma_start3A_85 : memref<1x128xi32, #tpu.memory_space<vmem>> -> memref<128xi32, #tpu.memory_space<vmem>>
          %dma_start3A_87 = arith.constant 0 : i32
          %dma_start3A_88 = arith.constant 0 : i32
          %dma_start3A_89 = tpu.memref_slice %arg10[%dma_start3A_87, %dma_start3A_88] : memref<10240x128xf32, #tpu.memory_space<vmem_shared>> -> memref<10240x128xf32, #tpu.memory_space<vmem_shared>>
          tpu.enqueue_indirect_dma source(%arg8 : memref<128x128xf32, #tpu.memory_space<vmem>>) target(%dma_start3A_89 : memref<10240x128xf32, #tpu.memory_space<vmem_shared>>) offsets(%dma_start3A_86 : memref<128xi32, #tpu.memory_space<vmem>>) semaphore(%run_scoped3A : memref<!tpu.dma_semaphore, #tpu.memory_space<semaphore_mem>>) {add = true}
          %dma_wait3A_90 = arith.constant 0 : i32
          %dma_wait3A_91 = tpu.memref_slice %arg7[%mul3A_56, %dma_wait3A_90] : memref<16x128xi32, #tpu.memory_space<vmem>> -> memref<1x128xi32, #tpu.memory_space<vmem>>
          %dma_wait3A_92 = tpu.memref_squeeze %dma_wait3A_91 : memref<1x128xi32, #tpu.memory_space<vmem>> -> memref<128xi32, #tpu.memory_space<vmem>>
          %dma_wait3A_93 = arith.constant 0 : i32
          %dma_wait3A_94 = arith.constant 0 : i32
          %dma_wait3A_95 = tpu.memref_slice %arg10[%dma_wait3A_93, %dma_wait3A_94] : memref<10240x128xf32, #tpu.memory_space<vmem_shared>> -> memref<10240x128xf32, #tpu.memory_space<vmem_shared>>
          tpu.wait_indirect_dma semaphore(%run_scoped3A : memref<!tpu.dma_semaphore, #tpu.memory_space<semaphore_mem>>) src(%arg8 : memref<128x128xf32, #tpu.memory_space<vmem>>) dst(%dma_wait3A_95 : memref<10240x128xf32, #tpu.memory_space<vmem_shared>>)
          tpu.yield
        }) : () -> ()
        %add3A_70 = arith.constant 2 : i32
        %add3A_71 = arith.addi %mul3A_56, %add3A_70 : i32
        %lt3A = arith.constant 16 : i32
        %lt3A_72 = arith.cmpi slt, %add3A_71, %lt3A : i32
        %convert_element_type3A = arith.extui %lt3A_72 : i1 to i32
        %cond3A = arith.constant 0 : i32
        %cond3A_73 = arith.cmpi ne, %convert_element_type3A, %cond3A : i32
        scf.if %cond3A_73 {
          %add3A_84 = arith.constant 2 : i32
          %add3A_85 = arith.addi %mul3A_56, %add3A_84 : i32
          %dma_start3A_86 = arith.constant 0 : i32
          %dma_start3A_87 = tpu.memref_slice %arg6[%add3A_85, %dma_start3A_86] : memref<16x128xi32, #tpu.memory_space<vmem>> -> memref<1x128xi32, #tpu.memory_space<vmem>>
          %dma_start3A_88 = tpu.memref_squeeze %dma_start3A_87 : memref<1x128xi32, #tpu.memory_space<vmem>> -> memref<128xi32, #tpu.memory_space<vmem>>
          %dma_start3A_89 = arith.constant 0 : i32
          %dma_start3A_90 = arith.constant 0 : i32
          %dma_start3A_91 = tpu.memref_slice %arg4[%dma_start3A_89, %dma_start3A_90] : memref<10240x128xf32, #tpu.memory_space<hbm>> -> memref<10240x128xf32, #tpu.memory_space<hbm>>
          tpu.enqueue_indirect_dma source(%dma_start3A_91 : memref<10240x128xf32, #tpu.memory_space<hbm>>) target(%arg8 : memref<128x128xf32, #tpu.memory_space<vmem>>) offsets(%dma_start3A_88 : memref<128xi32, #tpu.memory_space<vmem>>) semaphore(%arg11 : memref<!tpu.dma_semaphore, #tpu.memory_space<semaphore_mem>>)
        } else {
        }
        %add3A_74 = arith.constant 1 : i32
        %add3A_75 = arith.addi %mul3A_56, %add3A_74 : i32
        %dma_wait3A_76 = arith.constant 0 : i32
        %dma_wait3A_77 = tpu.memref_slice %arg6[%add3A_75, %dma_wait3A_76] : memref<16x128xi32, #tpu.memory_space<vmem>> -> memref<1x128xi32, #tpu.memory_space<vmem>>
        %dma_wait3A_78 = tpu.memref_squeeze %dma_wait3A_77 : memref<1x128xi32, #tpu.memory_space<vmem>> -> memref<128xi32, #tpu.memory_space<vmem>>
        %dma_wait3A_79 = arith.constant 0 : i32
        %dma_wait3A_80 = arith.constant 0 : i32
        %dma_wait3A_81 = tpu.memref_slice %arg4[%dma_wait3A_79, %dma_wait3A_80] : memref<10240x128xf32, #tpu.memory_space<hbm>> -> memref<10240x128xf32, #tpu.memory_space<hbm>>
        tpu.wait_indirect_dma semaphore(%arg12 : memref<!tpu.dma_semaphore, #tpu.memory_space<semaphore_mem>>) src(%dma_wait3A_81 : memref<10240x128xf32, #tpu.memory_space<hbm>>) dst(%arg9 : memref<128x128xf32, #tpu.memory_space<vmem>>)
        %add3A_82 = arith.constant 1 : i32
        %add3A_83 = arith.addi %mul3A_56, %add3A_82 : i32
        "tpu.region"() ({
          %run_scoped3A = tpu.sem_alloc : memref<!tpu.dma_semaphore, #tpu.memory_space<semaphore_mem>>
          %dma_start3A_84 = arith.constant 0 : i32
          %dma_start3A_85 = tpu.memref_slice %arg7[%add3A_83, %dma_start3A_84] : memref<16x128xi32, #tpu.memory_space<vmem>> -> memref<1x128xi32, #tpu.memory_space<vmem>>
          %dma_start3A_86 = tpu.memref_squeeze %dma_start3A_85 : memref<1x128xi32, #tpu.memory_space<vmem>> -> memref<128xi32, #tpu.memory_space<vmem>>
          %dma_start3A_87 = arith.constant 0 : i32
          %dma_start3A_88 = arith.constant 0 : i32
          %dma_start3A_89 = tpu.memref_slice %arg10[%dma_start3A_87, %dma_start3A_88] : memref<10240x128xf32, #tpu.memory_space<vmem_shared>> -> memref<10240x128xf32, #tpu.memory_space<vmem_shared>>
          tpu.enqueue_indirect_dma source(%arg9 : memref<128x128xf32, #tpu.memory_space<vmem>>) target(%dma_start3A_89 : memref<10240x128xf32, #tpu.memory_space<vmem_shared>>) offsets(%dma_start3A_86 : memref<128xi32, #tpu.memory_space<vmem>>) semaphore(%run_scoped3A : memref<!tpu.dma_semaphore, #tpu.memory_space<semaphore_mem>>) {add = true}
          %dma_wait3A_90 = arith.constant 0 : i32
          %dma_wait3A_91 = tpu.memref_slice %arg7[%add3A_83, %dma_wait3A_90] : memref<16x128xi32, #tpu.memory_space<vmem>> -> memref<1x128xi32, #tpu.memory_space<vmem>>
          %dma_wait3A_92 = tpu.memref_squeeze %dma_wait3A_91 : memref<1x128xi32, #tpu.memory_space<vmem>> -> memref<128xi32, #tpu.memory_space<vmem>>
          %dma_wait3A_93 = arith.constant 0 : i32
          %dma_wait3A_94 = arith.constant 0 : i32
          %dma_wait3A_95 = tpu.memref_slice %arg10[%dma_wait3A_93, %dma_wait3A_94] : memref<10240x128xf32, #tpu.memory_space<vmem_shared>> -> memref<10240x128xf32, #tpu.memory_space<vmem_shared>>
          tpu.wait_indirect_dma semaphore(%run_scoped3A : memref<!tpu.dma_semaphore, #tpu.memory_space<semaphore_mem>>) src(%arg9 : memref<128x128xf32, #tpu.memory_space<vmem>>) dst(%dma_wait3A_95 : memref<10240x128xf32, #tpu.memory_space<vmem_shared>>)
          tpu.yield
        }) : () -> ()
      }
      %scan3A_53 = arith.constant 8 : i32
    }
    %scan3A_31 = arith.constant 5 : i32
    %barrier3A_32 = arith.constant 0 : index
    tpu.barrier barrier_id(%barrier3A_32)
    %mul3A_33 = arith.constant 640 : i32
    %mul3A_34 = arith.muli %arg1, %mul3A_33 : i32
    %mul3A_35 = arith.constant 640 : i32
    %mul3A_36 = arith.muli %arg1, %mul3A_35 : i32
    "tpu.region"() ({
      %run_scoped3A = tpu.sem_alloc : memref<!tpu.dma_semaphore, #tpu.memory_space<semaphore_mem>>
      %dma_start3A = arith.constant 0 : i32
      %dma_start3A_37 = tpu.memref_slice %arg5[%arg0, %mul3A_36, %dma_start3A] : memref<2x10240x128xf32, #tpu.memory_space<hbm>> -> memref<1x640x128xf32, #tpu.memory_space<hbm>>
      %dma_start3A_38 = tpu.memref_squeeze %dma_start3A_37 : memref<1x640x128xf32, #tpu.memory_space<hbm>> -> memref<640x128xf32, #tpu.memory_space<hbm>>
      %dma_start3A_39 = arith.constant 0 : i32
      %dma_start3A_40 = tpu.memref_slice %arg10[%mul3A_34, %dma_start3A_39] : memref<10240x128xf32, #tpu.memory_space<vmem_shared>> -> memref<640x128xf32, #tpu.memory_space<vmem_shared>>
      tpu.enqueue_dma source(%dma_start3A_40 : memref<640x128xf32, #tpu.memory_space<vmem_shared>>) target(%dma_start3A_38 : memref<640x128xf32, #tpu.memory_space<hbm>>) target_semaphore(%run_scoped3A : memref<!tpu.dma_semaphore, #tpu.memory_space<semaphore_mem>>)
      %dma_wait3A = arith.constant 0 : i32
      %dma_wait3A_41 = tpu.memref_slice %arg5[%arg0, %mul3A_36, %dma_wait3A] : memref<2x10240x128xf32, #tpu.memory_space<hbm>> -> memref<1x640x128xf32, #tpu.memory_space<hbm>>
      %dma_wait3A_42 = tpu.memref_squeeze %dma_wait3A_41 : memref<1x640x128xf32, #tpu.memory_space<hbm>> -> memref<640x128xf32, #tpu.memory_space<hbm>>
      %dma_wait3A_43 = arith.constant 0 : i32
      %dma_wait3A_44 = tpu.memref_slice %arg10[%mul3A_34, %dma_wait3A_43] : memref<10240x128xf32, #tpu.memory_space<vmem_shared>> -> memref<640x128xf32, #tpu.memory_space<vmem_shared>>
      tpu.wait_dma2 semaphore(%run_scoped3A : memref<!tpu.dma_semaphore, #tpu.memory_space<semaphore_mem>>) src(%dma_wait3A_44 : memref<640x128xf32, #tpu.memory_space<vmem_shared>>) dst(%dma_wait3A_42 : memref<640x128xf32, #tpu.memory_space<hbm>>)
      tpu.yield
    }) : () -> ()
    return
  }
}

module attributes {stable_mosaic.version = 14 : i64} {
  func.func @_mm_body(%arg0: i32, %arg1: memref<1024x128xf32, #tpu.memory_space<vmem>>, %arg2: memref<128x128xf32, #tpu.memory_space<vmem>>, %arg3: memref<2x1024xf32, #tpu.memory_space<vmem>>, %arg4: memref<1024x128xf32, #tpu.memory_space<vmem>>) attributes {dimension_semantics = [#tpu.dimension_semantics<arbitrary>], iteration_bounds = array<i64: 10>, scalar_prefetch = 0 : i64, scratch_operands = 0 : i64, tpu.core_type = #tpu.core_type<tc>, window_params = [{transform_indices = @transform_0, window_bounds = array<i64: 1024, 128>}, {pipeline_mode = #tpu.pipeline_mode<synchronous>, transform_indices = @transform_1, window_bounds = array<i64: 128, 128>}, {transform_indices = @transform_2, window_bounds = array<i64: 2, 1024>}, {transform_indices = @transform_3, window_bounds = array<i64: 1024, 128>}]} {
    %get3A = arith.constant 0 : index
    %get3A_0 = arith.constant 0 : index
    %get3A_1 = vector.load %arg3[%get3A, %get3A_0] : memref<2x1024xf32, #tpu.memory_space<vmem>>, vector<1x1024xf32>
    %get3A_2 = vector.shape_cast %get3A_1 : vector<1x1024xf32> to vector<1024xf32>
    %get3A_3 = arith.constant 1 : index
    %get3A_4 = arith.constant 0 : index
    %get3A_5 = vector.load %arg3[%get3A_3, %get3A_4] : memref<2x1024xf32, #tpu.memory_space<vmem>>, vector<1x1024xf32>
    %get3A_6 = vector.shape_cast %get3A_5 : vector<1x1024xf32> to vector<1024xf32>
    %add3A = arith.addf %get3A_2, %get3A_6 : vector<1024xf32>
    %add3A_7 = arith.constant 1.000000e+00 : f32
    %add3A_8 = vector.broadcast %add3A_7 : f32 to vector<1024xf32>
    %add3A_9 = arith.addf %add3A, %add3A_8 : vector<1024xf32>
    %rsqrt3A = math.rsqrt %add3A_9 : vector<1024xf32>
    %get3A_10 = arith.constant 0 : index
    %get3A_11 = arith.constant 0 : index
    %get3A_12 = vector.load %arg1[%get3A_10, %get3A_11] : memref<1024x128xf32, #tpu.memory_space<vmem>>, vector<1024x128xf32>
    %get3A_13 = arith.constant 0 : index
    %get3A_14 = arith.constant 0 : index
    %get3A_15 = vector.load %arg2[%get3A_13, %get3A_14] : memref<128x128xf32, #tpu.memory_space<vmem>>, vector<128x128xf32>
    %dot_general3A = arith.constant dense<0.000000e+00> : vector<1024x128xf32>
    %dot_general3A_16 = tpu.matmul %get3A_12, %get3A_15, %dot_general3A {dimension_numbers = #tpu.dot_dimension_numbers<[1], [0], [0], [1], [0, 0, 1, 1], [], []>, precision = #tpu.contract_precision<fp32>, transpose_lhs_hint = false} : vector<1024x128xf32>, vector<128x128xf32>, vector<1024x128xf32> -> vector<1024x128xf32>
    %broadcast_in_dim3A = vector.shape_cast %rsqrt3A : vector<1024xf32> to vector<1024x1xf32>
    %mul3A = vector.broadcast %broadcast_in_dim3A : vector<1024x1xf32> to vector<1024x128xf32>
    %mul3A_17 = arith.mulf %dot_general3A_16, %mul3A : vector<1024x128xf32>
    %swap3A = arith.constant 0 : index
    %swap3A_18 = arith.constant 0 : index
    %swap3A_19 = vector.load %arg4[%swap3A, %swap3A_18] : memref<1024x128xf32, #tpu.memory_space<vmem>>, vector<1024x128xf32>
    tpu.vector_store %arg4[%swap3A, %swap3A_18], %mul3A_17 {strides = array<i32>} : memref<1024x128xf32, #tpu.memory_space<vmem>>, vector<1024x128xf32>,
    return
  }
  func.func @transform_0(%arg0: i32) -> (i32, i32) {
    %c0_i32 = arith.constant 0 : i32
    %c0_i32_0 = arith.constant 0 : i32
    return %arg0, %c0_i32 : i32, i32
  }
  func.func @transform_1(%arg0: i32) -> (i32, i32) {
    %c0_i32 = arith.constant 0 : i32
    %c0_i32_0 = arith.constant 0 : i32
    %c0_i32_1 = arith.constant 0 : i32
    return %c0_i32, %c0_i32_0 : i32, i32
  }
  func.func @transform_2(%arg0: i32) -> (i32, i32) {
    %c0_i32 = arith.constant 0 : i32
    %c0_i32_0 = arith.constant 0 : i32
    return %c0_i32, %arg0 : i32, i32
  }
  func.func @transform_3(%arg0: i32) -> (i32, i32) {
    %c0_i32 = arith.constant 0 : i32
    %c0_i32_0 = arith.constant 0 : i32
    return %arg0, %c0_i32 : i32, i32
  }
}

module attributes {stable_mosaic.version = 14 : i64} {
  func.func @_fin_body(%arg0: i32, %arg1: memref<1024x128xf32, #tpu.memory_space<vmem>>, %arg2: memref<1024x128xf32, #tpu.memory_space<vmem>>, %arg3: memref<2x1024x128xf32, #tpu.memory_space<vmem>>, %arg4: memref<2x1024xf32, #tpu.memory_space<vmem>>, %arg5: memref<128xf32, #tpu.memory_space<vmem>>, %arg6: memref<1024x128xf32, #tpu.memory_space<vmem>>) attributes {dimension_semantics = [#tpu.dimension_semantics<arbitrary>], iteration_bounds = array<i64: 10>, scalar_prefetch = 0 : i64, scratch_operands = 0 : i64, tpu.core_type = #tpu.core_type<tc>, window_params = [{transform_indices = @transform_0, window_bounds = array<i64: 1024, 128>}, {transform_indices = @transform_1, window_bounds = array<i64: 1024, 128>}, {transform_indices = @transform_2, window_bounds = array<i64: 2, 1024, 128>}, {transform_indices = @transform_3, window_bounds = array<i64: 2, 1024>}, {pipeline_mode = #tpu.pipeline_mode<synchronous>, transform_indices = @transform_4, window_bounds = array<i64: 128>}, {transform_indices = @transform_5, window_bounds = array<i64: 1024, 128>}]} {
    %get3A = arith.constant 0 : index
    %get3A_0 = arith.constant 0 : index
    %get3A_1 = vector.load %arg4[%get3A, %get3A_0] : memref<2x1024xf32, #tpu.memory_space<vmem>>, vector<1x1024xf32>
    %get3A_2 = vector.shape_cast %get3A_1 : vector<1x1024xf32> to vector<1024xf32>
    %get3A_3 = arith.constant 1 : index
    %get3A_4 = arith.constant 0 : index
    %get3A_5 = vector.load %arg4[%get3A_3, %get3A_4] : memref<2x1024xf32, #tpu.memory_space<vmem>>, vector<1x1024xf32>
    %get3A_6 = vector.shape_cast %get3A_5 : vector<1x1024xf32> to vector<1024xf32>
    %add3A = arith.addf %get3A_2, %get3A_6 : vector<1024xf32>
    %add3A_7 = arith.constant 1.000000e+00 : f32
    %add3A_8 = vector.broadcast %add3A_7 : f32 to vector<1024xf32>
    %add3A_9 = arith.addf %add3A, %add3A_8 : vector<1024xf32>
    %rsqrt3A = math.rsqrt %add3A_9 : vector<1024xf32>
    %get3A_10 = arith.constant 0 : index
    %get3A_11 = arith.constant 0 : index
    %get3A_12 = arith.constant 0 : index
    %get3A_13 = vector.load %arg3[%get3A_10, %get3A_11, %get3A_12] : memref<2x1024x128xf32, #tpu.memory_space<vmem>>, vector<1x1024x128xf32>
    %get3A_14 = vector.shape_cast %get3A_13 : vector<1x1024x128xf32> to vector<1024x128xf32>
    %get3A_15 = arith.constant 1 : index
    %get3A_16 = arith.constant 0 : index
    %get3A_17 = arith.constant 0 : index
    %get3A_18 = vector.load %arg3[%get3A_15, %get3A_16, %get3A_17] : memref<2x1024x128xf32, #tpu.memory_space<vmem>>, vector<1x1024x128xf32>
    %get3A_19 = vector.shape_cast %get3A_18 : vector<1x1024x128xf32> to vector<1024x128xf32>
    %add3A_20 = arith.addf %get3A_14, %get3A_19 : vector<1024x128xf32>
    %get3A_21 = arith.constant 0 : index
    %get3A_22 = arith.constant 0 : index
    %get3A_23 = vector.load %arg2[%get3A_21, %get3A_22] : memref<1024x128xf32, #tpu.memory_space<vmem>>, vector<1024x128xf32>
    %add3A_24 = arith.addf %add3A_20, %get3A_23 : vector<1024x128xf32>
    %get3A_25 = arith.constant 0 : index
    %get3A_26 = arith.constant 0 : index
    %get3A_27 = vector.load %arg1[%get3A_25, %get3A_26] : memref<1024x128xf32, #tpu.memory_space<vmem>>, vector<1024x128xf32>
    %broadcast_in_dim3A = vector.shape_cast %rsqrt3A : vector<1024xf32> to vector<1024x1xf32>
    %mul3A = vector.broadcast %broadcast_in_dim3A : vector<1024x1xf32> to vector<1024x128xf32>
    %mul3A_28 = arith.mulf %add3A_24, %mul3A : vector<1024x128xf32>
    %get3A_29 = arith.constant 0 : index
    %get3A_30 = vector.load %arg5[%get3A_29] : memref<128xf32, #tpu.memory_space<vmem>>, vector<128xf32>
    %broadcast_in_dim3A_31 = vector.shape_cast %get3A_30 : vector<128xf32> to vector<1x128xf32>
    %add3A_32 = vector.broadcast %broadcast_in_dim3A_31 : vector<1x128xf32> to vector<1024x128xf32>
    %add3A_33 = arith.addf %mul3A_28, %add3A_32 : vector<1024x128xf32>
    %max3A = arith.constant 0.000000e+00 : f32
    %max3A_34 = vector.broadcast %max3A : f32 to vector<1024x128xf32>
    %max3A_35 = arith.maximumf %add3A_33, %max3A_34 : vector<1024x128xf32>
    %add3A_36 = arith.addf %get3A_27, %max3A_35 : vector<1024x128xf32>
    %swap3A = arith.constant 0 : index
    %swap3A_37 = arith.constant 0 : index
    %swap3A_38 = vector.load %arg6[%swap3A, %swap3A_37] : memref<1024x128xf32, #tpu.memory_space<vmem>>, vector<1024x128xf32>
    tpu.vector_store %arg6[%swap3A, %swap3A_37], %add3A_36 {strides = array<i32>} : memref<1024x128xf32, #tpu.memory_space<vmem>>, vector<1024x128xf32>,
    return
  }
  func.func @transform_0(%arg0: i32) -> (i32, i32) {
    %c0_i32 = arith.constant 0 : i32
    %c0_i32_0 = arith.constant 0 : i32
    return %arg0, %c0_i32 : i32, i32
  }
  func.func @transform_1(%arg0: i32) -> (i32, i32) {
    %c0_i32 = arith.constant 0 : i32
    %c0_i32_0 = arith.constant 0 : i32
    return %arg0, %c0_i32 : i32, i32
  }
  func.func @transform_2(%arg0: i32) -> (i32, i32, i32) {
    %c0_i32 = arith.constant 0 : i32
    %c0_i32_0 = arith.constant 0 : i32
    %c0_i32_1 = arith.constant 0 : i32
    return %c0_i32, %arg0, %c0_i32_0 : i32, i32, i32
  }
  func.func @transform_3(%arg0: i32) -> (i32, i32) {
    %c0_i32 = arith.constant 0 : i32
    %c0_i32_0 = arith.constant 0 : i32
    return %c0_i32, %arg0 : i32, i32
  }
  func.func @transform_4(%arg0: i32) -> i32 {
    %c0_i32 = arith.constant 0 : i32
    %c0_i32_0 = arith.constant 0 : i32
    return %c0_i32 : i32
  }
  func.func @transform_5(%arg0: i32) -> (i32, i32) {
    %c0_i32 = arith.constant 0 : i32
    %c0_i32_0 = arith.constant 0 : i32
    return %arg0, %c0_i32 : i32, i32
  }
}

</mosaic_0001>

<sc_bundles>
// kernel: kernel.6.cloned.1.call-start
scs
__scs_entry_jumppad:
0x0: {  	(pc) =	sbr.rel $0x88, $3  }
0x1: {  	(tag) =	ssettag $0x0;
	lr =	simm.s32 $0x1  }
0x2: {  	[smem:$0x3F9D] =	sst lr;
	_ =	strace $0xD0000000  }
0x3: {  	_ = 	snop  }
0x4: {  	_ = 	snop  }
0x5: {  	_ = 	snop  }
0x6: {  	_ = 	snop  }
0x7: {  	_ = 	snop  }
__scs_overlays_trampoline_lowered:
0x8: {  	[smem:$0x3FAC] =	sst s0  }
0x9: {  	[smem:$0x3FAD] =	sst s1  }
0xa: {  	[smem:$0x3FAE] =	sst s2  }
0xb: {  	[smem:$0x3FAF] =	sst s3  }
0xc: {  	[smem:$0x3FB0] =	sst s4  }
0xd: {  	[smem:$0x3FB1] =	sst s5  }
0xe: {  	[smem:$0x3FB2] =	sst s6  }
0xf: {  	[smem:$0x3FB3] =	sst s7  }
0x10: {  	[smem:$0x3FB4] =	sst s8  }
0x11: {  	[smem:$0x3FB5] =	sst s9;
	s0 =	simm.s32 @!p0 $0x0  }
0x12: {  	s1 =	sld [smem:$0x3F9B];
	s0 =	simm.s32 @p0 $0x1  }
0x13: {  	[smem:$0x3FB6] =	sst s0;
	s0 =	simm.s32 @!p1 $0x0  }
0x14: {  	s2 =	sld [smem:$0x3F9A];
	s0 =	simm.s32 @p1 $0x1  }
0x15: {  	[smem:$0x3FB7] =	sst s0;
	s0 =	simm.s32 @!p2 $0x0  }
0x16: {  	s3 =	sld [smem:$0x3FDB];
	s0 =	simm.s32 @p2 $0x1  }
0x17: {  	s4 =	simm.s32 $0x1BF5;
	[smem:$0x3FB9] =	sst s0  }
0x18: {  	s0 =	sld [smem:$0x3F9C];
	_ =	swait.ge [sflag:s4], $0x0  }
0x19: {  	s7 =	sld [smem:$0x3F9D]  }
0x1a: {  	s8 =	sadd.s32 $0xFFFFE003, lr  }
0x1b: {  	s9 =	sadd.s32 $0xFFFFFEF7, lr;
	s5 =	simm.s32 $0xFFFFFFFF;
	p2 =	slt.u32 s8, $0xFFFFF086  }
0x1c: {  	p1 =	slt.u32 s9, $0xF7A;
	s5 =	simm.s32 @!p2 $0x0  }
0x1d: {  	s5 =	simm.s32 @p1 $0x1;
	p0 =	seq.s32 s7, s2  }
0x1e: {  	s7 =	smul.u32 @!p0 $0xF7A, s2;
	p2 =	seq.s32 @!p0 s5, $0x0  }
0x1f: {  	s9 =	smul.u32 $0xF7A, s1;
	s8 =	simm.s32 @!p0 $0x1BF5;
	p2 =	por !p2, p0  }
0x20: {  	[sflag:s8] =	ssyncset.s32 @!p0 $0xFFFFF086;
	s6 =	sadd.s32 @!p0 s3, s7;
	s7 =	simm.s32 @!p0 $0x108  }
0x21: {  	s3 =	sadd.s32 s3, s9;
	s6 =	sadd.s32 @!p0 $0x88, s6;
	s7 =	simm.s32 @p2 $0x1082  }
0x22: {  	[simem:s7], [sflag:s8] =	dma.local @!p0 [hbm:s6], $0xF7A  }
0x23: {  	s9 =	sor.u32 $0xD0000000, s2;
	s6 =	simm.s32 $0x108;
	_ =	swait.ge @!p0 [sflag:s8], $0x0  }
0x24: {  	s3 =	sadd.s32 $0x88, s3;
	s6 =	simm.s32 @!p1 $0x1082;
	[sflag:s4] =	ssyncset.s32 $0xFFFFF086  }
0x25: {  	[simem:s6], [sflag:s4] =	dma.local [hbm:s3], $0xF7A  }
0x26: {  	[smem:$0x3F9D] =	sst s1;
	(tag) =	ssettag s2;
	_ =	strace s9  }
0x27: {  	s1 =	sld [smem:$0x3FAD]  }
0x28: {  	s2 =	sld [smem:$0x3FAE]  }
0x29: {  	s4 =	sld [smem:$0x3FB0]  }
0x2a: {  	p0 =	seq.s32 s5, $0x0;
	s5 =	sld [smem:$0x3FB1]  }
0x2b: {  	s6 =	sld [smem:$0x3FB2]  }
0x2c: {  	s7 =	sld [smem:$0x3FB3]  }
0x2d: {  	s3 =	simm.s32 $0x108;
	s8 =	sld [smem:$0x3FB4]  }
0x2e: {  	s3 =	simm.s32 @!p0 $0x1082;
	s9 =	sld [smem:$0x3FB5]  }
0x2f: {  	lr =	sadd.s32 s0, s3;
	s0 =	sld [smem:$0x3FAC]  }
0x30: {  	s3 =	sld [smem:$0x3FAF]  }
0x31: {  	[smem:$0x3FB8] =	sst s10  }
0x32: {  	s10 =	sld [smem:$0x3FB6];
	_ =	sdelay $0x3  }
0x33: {  	p0 =	seq.s32 s10, $0x1;
	s10 =	sld [smem:$0x3FB8];
	_ =	sdelay $0x3  }
0x34: {  	[smem:$0x3FB8] =	sst s10  }
0x35: {  	s10 =	sld [smem:$0x3FB7];
	_ =	sdelay $0x3  }
0x36: {  	p1 =	seq.s32 s10, $0x1;
	s10 =	sld [smem:$0x3FB8];
	_ =	sdelay $0x3  }
0x37: {  	[smem:$0x3FB8] =	sst s10  }
0x38: {  	s10 =	sld [smem:$0x3FB9]  }
0x39: {  	_ = 	snop;
	(pc) =	sbr.ind lr, $3  }
0x3a: {  	_ = 	snop  }
0x3b: {  	_ = 	snop  }
0x3c: {  	p2 =	seq.s32 s10, $0x1;
	s10 =	sld [smem:$0x3FB8]  }
0x3d: {  	_ =	shalt  }
0x3e: {  	_ =	shalt  }
0x3f: {  	_ =	shalt  }
0x40: {  	_ =	shalt  }
0x41: {  	_ =	shalt  }
0x42: {  	_ =	shalt  }
0x43: {  	_ =	shalt  }
0x44: {  	_ =	shalt  }
0x45: {  	_ =	shalt  }
0x46: {  	_ =	shalt  }
0x47: {  	_ =	shalt  }
0x48: {  	_ =	shalt  }
0x49: {  	_ =	shalt  }
0x4a: {  	_ =	shalt  }
0x4b: {  	_ =	shalt  }
0x4c: {  	_ =	shalt  }
0x4d: {  	_ =	shalt  }
0x4e: {  	_ =	shalt  }
0x4f: {  	_ =	shalt  }
0x50: {  	_ =	shalt  }
0x51: {  	_ =	shalt  }
0x52: {  	_ =	shalt  }
0x53: {  	_ =	shalt  }
0x54: {  	_ =	shalt  }
0x55: {  	_ =	shalt  }
0x56: {  	_ =	shalt  }
0x57: {  	_ =	shalt  }
0x58: {  	_ =	shalt  }
0x59: {  	_ =	shalt  }
0x5a: {  	_ =	shalt  }
0x5b: {  	_ =	shalt  }
0x5c: {  	_ =	shalt  }
0x5d: {  	_ =	shalt  }
0x5e: {  	_ =	shalt  }
0x5f: {  	_ =	shalt  }
0x60: {  	_ =	shalt  }
0x61: {  	_ =	shalt  }
0x62: {  	_ =	shalt  }
0x63: {  	_ =	shalt  }
0x64: {  	_ =	shalt  }
0x65: {  	_ =	shalt  }
0x66: {  	_ =	shalt  }
0x67: {  	_ =	shalt  }
0x68: {  	_ =	shalt  }
0x69: {  	_ =	shalt  }
0x6a: {  	_ =	shalt  }
0x6b: {  	_ =	shalt  }
0x6c: {  	_ =	shalt  }
0x6d: {  	_ =	shalt  }
0x6e: {  	_ =	shalt  }
0x6f: {  	_ =	shalt  }
0x70: {  	_ =	shalt  }
0x71: {  	_ =	shalt  }
0x72: {  	_ =	shalt  }
0x73: {  	_ =	shalt  }
0x74: {  	_ =	shalt  }
0x75: {  	_ =	shalt  }
0x76: {  	_ =	shalt  }
0x77: {  	_ =	shalt  }
0x78: {  	_ =	shalt  }
0x79: {  	_ =	shalt  }
0x7a: {  	_ =	shalt  }
0x7b: {  	_ =	shalt  }
0x7c: {  	_ =	shalt  }
0x7d: {  	_ =	shalt  }
0x7e: {  	_ =	shalt  }
0x7f: {  	_ =	shalt  }
0x80: {  	_ =	shalt  }
0x81: {  	_ =	shalt  }
0x82: {  	_ =	shalt  }
0x83: {  	_ =	shalt  }
0x84: {  	_ =	shalt  }
0x85: {  	_ =	shalt  }
0x86: {  	_ =	shalt  }
0x87: {  	_ =	shalt  }
.Lfunc_end0:
.L_simem_size_0:
called_computation_lowered:
.L_overlay_start_0:
0x88: {  	s2 =	sld [smem:$0x3FD9]  }
0x89: {  	s3 =	sld [smem:$0x3FFE];
	_ =	sdelay $0x1  }
0x8a: {  	s1 =	srdreg.scid  }
0x8b: {  	s0 =	sand.u32 $0x1, s1  }
0x8c: {  	s17 =	sshll.u32 s0, $0xA;
	s2 =	sadd.s32 s3, s2  }
0x8d: {  	s2 =	sadd.s32 s2, s17  }
0x8e: {  	[smem:$0x3FC4] =	sst s2  }
0x8f: {  	_ = 	snop  }
0x90: {  	s2 =	sld [smem:$0x3FD0];
	(tm) =	ssettm $0x1  }
0x91: {  	s18 =	sld [smem:$0x3FFB];
	_ =	sdelay $0x3  }
0x92: {  	_ =	strace s18  }
0x93: {  	s3 =	sld [smem:$0x3FFC];
	_ =	sdelay $0x3  }
0x94: {  	_ =	strace s3  }
0x95: {  	s3 =	sld [smem:$0x3FFD];
	_ =	sdelay $0x3  }
0x96: {  	_ =	strace s3  }
0x97: {  	_ =	strace $0x8FFFFFFF  }
0x98: {  	s19 =	sld [smem:$0x3FDB];
	_ =	sdelay $0x1  }
0x99: {  	s4 =	simm.s32 $_scs_section_size  }
0x9a: {  	s5 =	simm.s32 $_size__tile_overlayer_lowered;
	s6 =	simm.s32 $_tile_overlayer_lowered  }
0x9b: {  	s22 =	simm.s32 $0x1BFF;
	s21 =	sshll.u32 s6, $0x1;
	s3 =	sadd.s32 s4, s19  }
0x9c: {  	s7 =	simm.s32 $0x0;
	s20 =	sshll.u32 s5, $0x1;
	s5 =	sadd.s32 s21, s3  }
0x9d: {  	[timem:s7], [sflag:s22] =	dma.local [hbm:s5], s20  }
0x9e: {  	_ =	swait.ge [sflag:s22], s20  }
0x9f: {  	s4 =	ssub.s32 $0x0, s20;
	[sflag:s22] =	ssyncset.done $0x0  }
0xa0: {  	[sflag:s22] =	ssyncadd.s32 s4;
	_ =	sdelay $0x1  }
0xa1: {  	s23 =	simm.s32 $0x1B8B  }
0xa2: {  	_ =	swait.ge [sflag:s23], $0x1  }
0xa3: {  	[sflag:s23] =	ssyncset.done $0x0  }
0xa4: {  	s25 =	simm.s32 $0x1B8E;
	s24 =	sld [smem:$0x3FFE];
	[sflag:s23] =	ssyncadd.s32 $0xFFFFFFFF  }
0xa5: {  	s26 =	simm.s32 $execute0_lowered;
	[smem:$0x3FD2] =	sst s25  }
0xa6: {  	s5 =	sshll.u32 s26, $0x1;
	_ =	strace $0x80000046;
	[dreg:$0x1] =	wrdreg $0xFFFFFFFF  }
0xa7: {  	s28 =	simm.s32 $_size_execute0_lowered;
	s3 =	sadd.s32 s3, s5;
	[dreg:$0x0] =	wrdreg $0x0  }
0xa8: {  	s5 =	sshll.u32 s28, $0x1;
	[dreg:$0x2] =	wrdreg s3  }
0xa9: {  	[dreg:$0x3] =	wrdreg s5  }
0xaa: {  	[dreg:$0x4] =	wrdreg $0xC0  }
0xab: {  	_ =	task [dreg:s7], $0x5FFFF  }
0xac: {  	[dreg:$0x1] =	wrdreg $0xFFFFFFFF  }
0xad: {  	[dreg:$0x0] =	wrdreg $0x60  }
0xae: {  	[dreg:$0x2] =	wrdreg s2  }
0xaf: {  	[dreg:$0x3] =	wrdreg s24  }
0xb0: {  	[dreg:$0x4] =	wrdreg $0x68000  }
0xb1: {  	[dreg:$0x5] =	wrdreg $0x9  }
0xb2: {  	_ =	task.clear_ibuf [dreg:s7], $0x6FFFF;
	_ =	strace $0x90000046  }
0xb3: {  	s29 =	simm.s32 $0x9;
	_ =	strace $0x80000048  }
0xb4: {  	_ =	swait.ge [sflag:s29], $0x1  }
0xb5: {  	[sflag:s29] =	ssyncadd.s32 $0xFFFFFFFF  }
0xb6: {  	_ =	strace $0x90000048  }
0xb7: {  	_ =	sfence  }
0xb8: {  	s30 =	sld [smem:$0x0];
	_ =	sdelay $0x2  }
0xb9: {  	s31 =	sshll.u32 s1, $0xD;
	s1 =	sshrl.u32 s1, $0x2  }
0xba: {  	s3 =	sand.u32 $0x4000, s31;
	s1 =	sadd.s32 s1, s30  }
0xbb: {  	s0 =	sor.u32 s3, s0;
	s1 =	sshll.u32 s1, $0x11  }
0xbc: {  	s0 =	sor.u32 s1, s0  }
0xbd: {  	s0 =	sadd.s32 $0x8F2B, s0  }
0xbe: {  	[sflag:s0] =	ssyncadd.remote.s32 $0x1  }
0xbf: {  	_ =	sfence.sel $0xFFFF  }
0xc0: {  	[dreg:$0x0] =	wrdreg $0xFFFFFFFF;
	(pc) =	sbr.abs _section_cstart, $3  }
0xc1: {  	[dreg:$0x1] =	wrdreg $0xFFFFFFFF  }
0xc2: {  	_ =	task.clear_ibuf [dreg:s7], $0x2FFFF;
	_ =	strace $0x9FFFFFFF  }
0xc3: {  	(tm) =	ssettm $0x7FFFFFFF  }
tec
execute0_lowered:
.L_overlay_start_1:
0x0: {  	(tag) =	ssettag $0x1  }
0x1: {  	s9 =	rddreg [dreg:$0x0]  }
0x2: {  	s6 =	rddreg [dreg:$0x1]  }
0x3: {  	s2 =	rddreg [dreg:$0x2]  }
0x4: {  	s0 =	srdreg.scid;
	s1 =	rddreg [dreg:$0x3]  }
0x5: {  	s3 =	simm.s32 $0x0;
	s13 =	simm.s32 $0x2;
	s4 =	sand.u32 $0x1, s0  }
0x6: {  	s14 =	simm.s32 $0x80;
	s0 =	stileid.u32;
	s5 =	smul.u32 $0x140000, s4  }
0x7: {  	s15 =	simm.s32 $0x1;
	[smem:$0x7FF] =	sst s3;
	s7 =	smul.u32 $0x14000, s0  }
0x8: {  	s26 =	smul.u32 $0x50000, s0;
	_ =	strace $0x80000047;
	s28 =	sshll.u32 s0, $0x1  }
0x9: {  	s29 =	ssub.s32 $0x2, s4;
	s16 =	sshll.u32 s0, $0x6;
	s5 =	sadd.s32 s7, s5  }
0xa: {  	s31 =	sshrl.u32 s29, $0x1;
	s16 =	sor.u32 $0x1C02, s16;
	s5 =	sshrl.u32 s5, $0x3  }
0xb: {  	s30 =	sshrl.u32 s26, $0x2;
	s10 =	sadd.s32 s5, s6;
	s5 =	sor.u32 s4, s28  }
0xc: {  	s12 =	ssub.s32 s29, s31;
	s4 =	sadd.s32 s30, s2;
	s11 =	smul.u32 $0x500, s5  }
0xd: {  	s5 =	sadd.s32 $0x4000, s4;
	s6 =	sadd.s32 $0x8000, s4;
	s7 =	sadd.s32 $0xC000, s4  }
0xe: {  	s8 =	sadd.s32 $0x10000, s4;
	s10 =	sadd.s32 $0x1200, s10;
	s17 =	sshrl.u32 s4, $0x3  }
0xf: {  	v0 =	vimm.f32 $0.0e+00;
	v1 =	vimm.f32 $1.000000000e+00;
	s9 =	sadd.s32 s9, s11;
	s11 =	smax.u32 s12, $0x1;
	s12 =	simm.s32 $0x2800  }
.LBB2_1:
0x10: {  	s18 =	simm.s32 $0x200;
	s19 =	simm.s32 $0x0  }
.LBB2_2:
0x11: {  	p0 =	sne.s32 s18, $0xFE00;
	[tilespmem:s19+$0x2800] =	vst v0;
	s19 =	smov.u32 s18;
	s18 =	sadd.s32 $0x200, s18  }
.Ltmp0:
0x12: {  	(pc) =	sbr.rel @p0 .LBB2_2-.Ltmp0, $2  }
0x13: {  	_ =	sdelay $0x2  }
0x14: {  	s19 =	sshra.s32 s19, $0x2  }
0x15: {  	[tilespmem:s19+$0x2800] =	vst v0  }
0x16: {  	[spmem:s4] =	stream.linear.scatter [tilespmem:s12], [sflag:$0x2], $0x4000, $0x38;
	[tilespmem:$0x9000] =	vst v63  }
0x17: {  	_ =	swait.ge [sflag:s13], $0x4000  }
0x18: {  	[sflag:s13] =	ssyncset.done $0x0  }
0x19: {  	[sflag:s13] =	ssyncadd.s32 $0xFFFFC000  }
0x1a: {  	[spmem:s5] =	stream.linear.scatter [tilespmem:s12], [sflag:$0x2], $0x4000, $0x38;
	[tilespmem:$0x9000] =	vst v63  }
0x1b: {  	_ =	swait.ge [sflag:s13], $0x4000  }
0x1c: {  	[sflag:s13] =	ssyncset.done $0x0  }
0x1d: {  	[sflag:s13] =	ssyncadd.s32 $0xFFFFC000  }
0x1e: {  	[spmem:s6] =	stream.linear.scatter [tilespmem:s12], [sflag:$0x2], $0x4000, $0x38;
	[tilespmem:$0x9000] =	vst v63  }
0x1f: {  	_ =	swait.ge [sflag:s13], $0x4000  }
0x20: {  	[sflag:s13] =	ssyncset.done $0x0  }
0x21: {  	[sflag:s13] =	ssyncadd.s32 $0xFFFFC000  }
0x22: {  	[spmem:s7] =	stream.linear.scatter [tilespmem:s12], [sflag:$0x2], $0x4000, $0x38;
	[tilespmem:$0x9000] =	vst v63  }
0x23: {  	_ =	swait.ge [sflag:s13], $0x4000  }
0x24: {  	[sflag:s13] =	ssyncset.done $0x0  }
0x25: {  	[sflag:s13] =	ssyncadd.s32 $0xFFFFC000  }
0x26: {  	[spmem:s8] =	stream.linear.scatter [tilespmem:s12], [sflag:$0x2], $0x4000, $0x38;
	[tilespmem:$0x9000] =	vst v63  }
0x27: {  	_ =	swait.ge [sflag:s13], $0x4000  }
0x28: {  	[sflag:s13] =	ssyncset.done $0x0  }
0x29: {  	s18 =	simm.s32 $0x200;
	s19 =	simm.s32 $0x0;
	[sflag:s13] =	ssyncadd.s32 $0xFFFFC000  }
.LBB2_4:
0x2a: {  	p0 =	sne.s32 s18, $0xFE00;
	[tilespmem:s19+$0x2800] =	vst v1;
	s19 =	smov.u32 s18;
	s18 =	sadd.s32 $0x200, s18  }
.Ltmp1:
0x2b: {  	(pc) =	sbr.rel @p0 .LBB2_4-.Ltmp1, $2  }
0x2c: {  	_ =	sdelay $0x2  }
0x2d: {  	s19 =	sshra.s32 s19, $0x2  }
0x2e: {  	[tilespmem:s19+$0x2800] =	vst v1;
	s18 =	simm.s32 $0x0  }
0x2f: {  	[tilespmem:s18], [sflag:$0x2] =	stream.linear.gather [hbm4b:s9+s18], $0x2800, $0x38;
	[tilespmem:$0x9000] =	vst v63  }
0x30: {  	_ =	swait.ge [sflag:s13], $0x2800  }
0x31: {  	[sflag:s13] =	ssyncset.done $0x0  }
0x32: {  	[sflag:s13] =	ssyncadd.s32 $0xFFFFD800  }
0x33: {  	s28 =	simm.s32 $0x0;
	[bflag:$0x0] =	sbarrier.arrive $0xFFFF  }
0x34: {  	[spmem:s2] =	stream.indirect.scatter.add.f32 [tilespmem:s12], [sflag:$0x1], $0x10, s28, s14, $0xb8;
	[tilespmem:$0x9000] =	vst v63  }
0x35: {  	s29 =	simm.s32 $0x80  }
0x36: {  	[spmem:s2] =	stream.indirect.scatter.add.f32 [tilespmem:s12], [sflag:$0x1], $0x10, s29, s14, $0xb8;
	[tilespmem:$0x9000] =	vst v63  }
0x37: {  	s30 =	simm.s32 $0x100  }
0x38: {  	[spmem:s2] =	stream.indirect.scatter.add.f32 [tilespmem:s12], [sflag:$0x1], $0x10, s30, s14, $0xb8;
	[tilespmem:$0x9000] =	vst v63  }
0x39: {  	s31 =	simm.s32 $0x180  }
0x3a: {  	[spmem:s2] =	stream.indirect.scatter.add.f32 [tilespmem:s12], [sflag:$0x1], $0x10, s31, s14, $0xb8;
	[tilespmem:$0x9000] =	vst v63  }
0x3b: {  	s19 =	simm.s32 $0x200  }
0x3c: {  	[spmem:s2] =	stream.indirect.scatter.add.f32 [tilespmem:s12], [sflag:$0x1], $0x10, s19, s14, $0xb8;
	[tilespmem:$0x9000] =	vst v63  }
0x3d: {  	s20 =	simm.s32 $0x280  }
0x3e: {  	[spmem:s2] =	stream.indirect.scatter.add.f32 [tilespmem:s12], [sflag:$0x1], $0x10, s20, s14, $0xb8;
	[tilespmem:$0x9000] =	vst v63  }
0x3f: {  	s21 =	simm.s32 $0x300  }
0x40: {  	[spmem:s2] =	stream.indirect.scatter.add.f32 [tilespmem:s12], [sflag:$0x1], $0x10, s21, s14, $0xb8;
	[tilespmem:$0x9000] =	vst v63  }
0x41: {  	s22 =	simm.s32 $0x380  }
0x42: {  	[spmem:s2] =	stream.indirect.scatter.add.f32 [tilespmem:s12], [sflag:$0x1], $0x10, s22, s14, $0xb8;
	[tilespmem:$0x9000] =	vst v63  }
0x43: {  	s23 =	simm.s32 $0x400  }
0x44: {  	[spmem:s2] =	stream.indirect.scatter.add.f32 [tilespmem:s12], [sflag:$0x1], $0x10, s23, s14, $0xb8;
	[tilespmem:$0x9000] =	vst v63  }
0x45: {  	s24 =	simm.s32 $0x480  }
0x46: {  	[spmem:s2] =	stream.indirect.scatter.add.f32 [tilespmem:s12], [sflag:$0x1], $0x10, s24, s14, $0xb8;
	[tilespmem:$0x9000] =	vst v63  }
0x47: {  	s25 =	simm.s32 $0x500  }
0x48: {  	[spmem:s2] =	stream.indirect.scatter.add.f32 [tilespmem:s12], [sflag:$0x1], $0x10, s25, s14, $0xb8;
	[tilespmem:$0x9000] =	vst v63  }
0x49: {  	s26 =	simm.s32 $0x580  }
0x4a: {  	[spmem:s2] =	stream.indirect.scatter.add.f32 [tilespmem:s12], [sflag:$0x1], $0x10, s26, s14, $0xb8;
	[tilespmem:$0x9000] =	vst v63  }
0x4b: {  	s28 =	simm.s32 $0x600  }
0x4c: {  	[spmem:s2] =	stream.indirect.scatter.add.f32 [tilespmem:s12], [sflag:$0x1], $0x10, s28, s14, $0xb8;
	[tilespmem:$0x9000] =	vst v63  }
0x4d: {  	s29 =	simm.s32 $0x680  }
0x4e: {  	[spmem:s2] =	stream.indirect.scatter.add.f32 [tilespmem:s12], [sflag:$0x1], $0x10, s29, s14, $0xb8;
	[tilespmem:$0x9000] =	vst v63  }
0x4f: {  	s30 =	simm.s32 $0x700  }
0x50: {  	[spmem:s2] =	stream.indirect.scatter.add.f32 [tilespmem:s12], [sflag:$0x1], $0x10, s30, s14, $0xb8;
	[tilespmem:$0x9000] =	vst v63  }
0x51: {  	s31 =	simm.s32 $0x780  }
0x52: {  	[spmem:s2] =	stream.indirect.scatter.add.f32 [tilespmem:s12], [sflag:$0x1], $0x10, s31, s14, $0xb8;
	[tilespmem:$0x9000] =	vst v63  }
0x53: {  	_ =	swait.ge [sflag:s15], $0x800  }
0x54: {  	[sflag:s15] =	ssyncset.done $0x0  }
0x55: {  	[sflag:s15] =	ssyncadd.s32 $0xFFFFF800  }
0x56: {  	_ =	swait.ge [sflag:s15], $0x800  }
0x57: {  	[sflag:s15] =	ssyncset.done $0x0  }
0x58: {  	[sflag:s15] =	ssyncadd.s32 $0xFFFFF800  }
0x59: {  	_ =	swait.ge [sflag:s15], $0x800  }
0x5a: {  	[sflag:s15] =	ssyncset.done $0x0  }
0x5b: {  	[sflag:s15] =	ssyncadd.s32 $0xFFFFF800  }
0x5c: {  	_ =	swait.ge [sflag:s15], $0x800  }
0x5d: {  	[sflag:s15] =	ssyncset.done $0x0  }
0x5e: {  	[sflag:s15] =	ssyncadd.s32 $0xFFFFF800  }
0x5f: {  	_ =	swait.ge [sflag:s15], $0x800  }
0x60: {  	[sflag:s15] =	ssyncset.done $0x0  }
0x61: {  	[sflag:s15] =	ssyncadd.s32 $0xFFFFF800  }
0x62: {  	_ =	swait.ge [sflag:s15], $0x800  }
0x63: {  	[sflag:s15] =	ssyncset.done $0x0  }
0x64: {  	[sflag:s15] =	ssyncadd.s32 $0xFFFFF800  }
0x65: {  	_ =	swait.ge [sflag:s15], $0x800  }
0x66: {  	[sflag:s15] =	ssyncset.done $0x0  }
0x67: {  	[sflag:s15] =	ssyncadd.s32 $0xFFFFF800  }
0x68: {  	_ =	swait.ge [sflag:s15], $0x800  }
0x69: {  	[sflag:s15] =	ssyncset.done $0x0  }
0x6a: {  	[sflag:s15] =	ssyncadd.s32 $0xFFFFF800  }
0x6b: {  	_ =	swait.ge [sflag:s15], $0x800  }
0x6c: {  	[sflag:s15] =	ssyncset.done $0x0  }
0x6d: {  	[sflag:s15] =	ssyncadd.s32 $0xFFFFF800  }
0x6e: {  	_ =	swait.ge [sflag:s15], $0x800  }
0x6f: {  	[sflag:s15] =	ssyncset.done $0x0  }
0x70: {  	[sflag:s15] =	ssyncadd.s32 $0xFFFFF800  }
0x71: {  	_ =	swait.ge [sflag:s15], $0x800  }
0x72: {  	[sflag:s15] =	ssyncset.done $0x0  }
0x73: {  	[sflag:s15] =	ssyncadd.s32 $0xFFFFF800  }
0x74: {  	_ =	swait.ge [sflag:s15], $0x800  }
0x75: {  	[sflag:s15] =	ssyncset.done $0x0  }
0x76: {  	[sflag:s15] =	ssyncadd.s32 $0xFFFFF800  }
0x77: {  	_ =	swait.ge [sflag:s15], $0x800  }
0x78: {  	[sflag:s15] =	ssyncset.done $0x0  }
0x79: {  	[sflag:s15] =	ssyncadd.s32 $0xFFFFF800  }
0x7a: {  	_ =	swait.ge [sflag:s15], $0x800  }
0x7b: {  	[sflag:s15] =	ssyncset.done $0x0  }
0x7c: {  	[sflag:s15] =	ssyncadd.s32 $0xFFFFF800  }
0x7d: {  	_ =	swait.ge [sflag:s15], $0x800  }
0x7e: {  	[sflag:s15] =	ssyncset.done $0x0  }
0x7f: {  	[sflag:s15] =	ssyncadd.s32 $0xFFFFF800  }
0x80: {  	_ =	swait.ge [sflag:s15], $0x800  }
0x81: {  	s18 =	simm.s32 $0x2000;
	s21 =	simm.s32 $0x4000;
	[sflag:s15] =	ssyncset.done $0x0  }
.LBB2_6:
0x82: {  	s20 =	sshra.s32 s18, $0x2  }
0x83: {  	[sflag:s15] =	ssyncadd.s32 $0xFFFFF800;
	s18 =	smov.u32 s21;
	s19 =	sadd.s32 $0x2000, s21  }
0x84: {  	[spmem:s2] =	stream.indirect.scatter.add.f32 [tilespmem:s12], [sflag:$0x1], $0x10, s20, s14, $0xb8;
	[tilespmem:$0x9000] =	vst v63  }
0x85: {  	p0 =	sne.s32 s21, $0x8000;
	s21 =	sadd.s32 $0x80, s20  }
0x86: {  	[spmem:s2] =	stream.indirect.scatter.add.f32 [tilespmem:s12], [sflag:$0x1], $0x10, s21, s14, $0xb8;
	[tilespmem:$0x9000] =	vst v63  }
0x87: {  	s21 =	sadd.s32 $0x100, s20  }
0x88: {  	[spmem:s2] =	stream.indirect.scatter.add.f32 [tilespmem:s12], [sflag:$0x1], $0x10, s21, s14, $0xb8;
	[tilespmem:$0x9000] =	vst v63  }
0x89: {  	s21 =	sadd.s32 $0x180, s20  }
0x8a: {  	[spmem:s2] =	stream.indirect.scatter.add.f32 [tilespmem:s12], [sflag:$0x1], $0x10, s21, s14, $0xb8;
	[tilespmem:$0x9000] =	vst v63  }
0x8b: {  	s21 =	sadd.s32 $0x200, s20  }
0x8c: {  	[spmem:s2] =	stream.indirect.scatter.add.f32 [tilespmem:s12], [sflag:$0x1], $0x10, s21, s14, $0xb8;
	[tilespmem:$0x9000] =	vst v63  }
0x8d: {  	s21 =	sadd.s32 $0x280, s20  }
0x8e: {  	[spmem:s2] =	stream.indirect.scatter.add.f32 [tilespmem:s12], [sflag:$0x1], $0x10, s21, s14, $0xb8;
	[tilespmem:$0x9000] =	vst v63  }
0x8f: {  	s21 =	sadd.s32 $0x300, s20  }
0x90: {  	[spmem:s2] =	stream.indirect.scatter.add.f32 [tilespmem:s12], [sflag:$0x1], $0x10, s21, s14, $0xb8;
	[tilespmem:$0x9000] =	vst v63  }
0x91: {  	s21 =	sadd.s32 $0x380, s20  }
0x92: {  	[spmem:s2] =	stream.indirect.scatter.add.f32 [tilespmem:s12], [sflag:$0x1], $0x10, s21, s14, $0xb8;
	[tilespmem:$0x9000] =	vst v63  }
0x93: {  	s21 =	sadd.s32 $0x400, s20  }
0x94: {  	[spmem:s2] =	stream.indirect.scatter.add.f32 [tilespmem:s12], [sflag:$0x1], $0x10, s21, s14, $0xb8;
	[tilespmem:$0x9000] =	vst v63  }
0x95: {  	s21 =	sadd.s32 $0x480, s20  }
0x96: {  	[spmem:s2] =	stream.indirect.scatter.add.f32 [tilespmem:s12], [sflag:$0x1], $0x10, s21, s14, $0xb8;
	[tilespmem:$0x9000] =	vst v63  }
0x97: {  	s21 =	sadd.s32 $0x500, s20  }
0x98: {  	[spmem:s2] =	stream.indirect.scatter.add.f32 [tilespmem:s12], [sflag:$0x1], $0x10, s21, s14, $0xb8;
	[tilespmem:$0x9000] =	vst v63  }
0x99: {  	s21 =	sadd.s32 $0x580, s20  }
0x9a: {  	[spmem:s2] =	stream.indirect.scatter.add.f32 [tilespmem:s12], [sflag:$0x1], $0x10, s21, s14, $0xb8;
	[tilespmem:$0x9000] =	vst v63  }
0x9b: {  	s21 =	sadd.s32 $0x600, s20  }
0x9c: {  	[spmem:s2] =	stream.indirect.scatter.add.f32 [tilespmem:s12], [sflag:$0x1], $0x10, s21, s14, $0xb8;
	[tilespmem:$0x9000] =	vst v63  }
0x9d: {  	s21 =	sadd.s32 $0x680, s20  }
0x9e: {  	[spmem:s2] =	stream.indirect.scatter.add.f32 [tilespmem:s12], [sflag:$0x1], $0x10, s21, s14, $0xb8;
	[tilespmem:$0x9000] =	vst v63  }
0x9f: {  	s21 =	sadd.s32 $0x700, s20  }
0xa0: {  	[spmem:s2] =	stream.indirect.scatter.add.f32 [tilespmem:s12], [sflag:$0x1], $0x10, s21, s14, $0xb8;
	[tilespmem:$0x9000] =	vst v63  }
0xa1: {  	s20 =	sadd.s32 $0x780, s20  }
0xa2: {  	[spmem:s2] =	stream.indirect.scatter.add.f32 [tilespmem:s12], [sflag:$0x1], $0x10, s20, s14, $0xb8;
	[tilespmem:$0x9000] =	vst v63  }
0xa3: {  	_ =	swait.ge [sflag:s15], $0x800  }
0xa4: {  	[sflag:s15] =	ssyncset.done $0x0  }
0xa5: {  	[sflag:s15] =	ssyncadd.s32 $0xFFFFF800  }
0xa6: {  	_ =	swait.ge [sflag:s15], $0x800  }
0xa7: {  	[sflag:s15] =	ssyncset.done $0x0  }
0xa8: {  	[sflag:s15] =	ssyncadd.s32 $0xFFFFF800  }
0xa9: {  	_ =	swait.ge [sflag:s15], $0x800  }
0xaa: {  	[sflag:s15] =	ssyncset.done $0x0  }
0xab: {  	[sflag:s15] =	ssyncadd.s32 $0xFFFFF800  }
0xac: {  	_ =	swait.ge [sflag:s15], $0x800  }
0xad: {  	[sflag:s15] =	ssyncset.done $0x0  }
0xae: {  	[sflag:s15] =	ssyncadd.s32 $0xFFFFF800  }
0xaf: {  	_ =	swait.ge [sflag:s15], $0x800  }
0xb0: {  	[sflag:s15] =	ssyncset.done $0x0  }
0xb1: {  	[sflag:s15] =	ssyncadd.s32 $0xFFFFF800  }
0xb2: {  	_ =	swait.ge [sflag:s15], $0x800  }
0xb3: {  	[sflag:s15] =	ssyncset.done $0x0  }
0xb4: {  	[sflag:s15] =	ssyncadd.s32 $0xFFFFF800  }
0xb5: {  	_ =	swait.ge [sflag:s15], $0x800  }
0xb6: {  	[sflag:s15] =	ssyncset.done $0x0  }
0xb7: {  	[sflag:s15] =	ssyncadd.s32 $0xFFFFF800  }
0xb8: {  	_ =	swait.ge [sflag:s15], $0x800  }
0xb9: {  	[sflag:s15] =	ssyncset.done $0x0  }
0xba: {  	[sflag:s15] =	ssyncadd.s32 $0xFFFFF800  }
0xbb: {  	_ =	swait.ge [sflag:s15], $0x800  }
0xbc: {  	[sflag:s15] =	ssyncset.done $0x0  }
0xbd: {  	[sflag:s15] =	ssyncadd.s32 $0xFFFFF800  }
0xbe: {  	_ =	swait.ge [sflag:s15], $0x800  }
0xbf: {  	[sflag:s15] =	ssyncset.done $0x0  }
0xc0: {  	[sflag:s15] =	ssyncadd.s32 $0xFFFFF800  }
0xc1: {  	_ =	swait.ge [sflag:s15], $0x800  }
0xc2: {  	[sflag:s15] =	ssyncset.done $0x0  }
0xc3: {  	[sflag:s15] =	ssyncadd.s32 $0xFFFFF800  }
0xc4: {  	_ =	swait.ge [sflag:s15], $0x800  }
0xc5: {  	[sflag:s15] =	ssyncset.done $0x0  }
0xc6: {  	[sflag:s15] =	ssyncadd.s32 $0xFFFFF800  }
0xc7: {  	_ =	swait.ge [sflag:s15], $0x800  }
0xc8: {  	[sflag:s15] =	ssyncset.done $0x0  }
0xc9: {  	[sflag:s15] =	ssyncadd.s32 $0xFFFFF800  }
0xca: {  	_ =	swait.ge [sflag:s15], $0x800  }
0xcb: {  	[sflag:s15] =	ssyncset.done $0x0  }
0xcc: {  	[sflag:s15] =	ssyncadd.s32 $0xFFFFF800  }
.Ltmp2:
0xcd: {  	_ =	swait.ge [sflag:s15], $0x800;
	(pc) =	sbr.rel @p0 .LBB2_6-.Ltmp2, $4  }
0xce: {  	[sflag:s15] =	ssyncset.done $0x0  }
0xcf: {  	[sflag:s15] =	ssyncadd.s32 $0xFFFFF800  }
0xd0: {  	_ =	swait.ge [sflag:s15], $0x800  }
0xd1: {  	s21 =	smov.u32 s19;
	[sflag:s15] =	ssyncset.done $0x0  }
0xd2: {  	s18 =	sshra.s32 s18, $0x2;
	[sflag:s15] =	ssyncadd.s32 $0xFFFFF800  }
0xd3: {  	[spmem:s2] =	stream.indirect.scatter.add.f32 [tilespmem:s12], [sflag:$0x1], $0x10, s18, s14, $0xb8;
	[tilespmem:$0x9000] =	vst v63  }
0xd4: {  	s19 =	sadd.s32 $0x80, s18  }
0xd5: {  	[spmem:s2] =	stream.indirect.scatter.add.f32 [tilespmem:s12], [sflag:$0x1], $0x10, s19, s14, $0xb8;
	[tilespmem:$0x9000] =	vst v63  }
0xd6: {  	s30 =	sadd.s32 $0x100, s18  }
0xd7: {  	[spmem:s2] =	stream.indirect.scatter.add.f32 [tilespmem:s12], [sflag:$0x1], $0x10, s30, s14, $0xb8;
	[tilespmem:$0x9000] =	vst v63  }
0xd8: {  	s31 =	sadd.s32 $0x180, s18  }
0xd9: {  	[spmem:s2] =	stream.indirect.scatter.add.f32 [tilespmem:s12], [sflag:$0x1], $0x10, s31, s14, $0xb8;
	[tilespmem:$0x9000] =	vst v63  }
0xda: {  	s20 =	sadd.s32 $0x200, s18  }
0xdb: {  	[spmem:s2] =	stream.indirect.scatter.add.f32 [tilespmem:s12], [sflag:$0x1], $0x10, s20, s14, $0xb8;
	[tilespmem:$0x9000] =	vst v63  }
0xdc: {  	s21 =	sadd.s32 $0x280, s18  }
0xdd: {  	[spmem:s2] =	stream.indirect.scatter.add.f32 [tilespmem:s12], [sflag:$0x1], $0x10, s21, s14, $0xb8;
	[tilespmem:$0x9000] =	vst v63  }
0xde: {  	s22 =	sadd.s32 $0x300, s18  }
0xdf: {  	[spmem:s2] =	stream.indirect.scatter.add.f32 [tilespmem:s12], [sflag:$0x1], $0x10, s22, s14, $0xb8;
	[tilespmem:$0x9000] =	vst v63  }
0xe0: {  	s23 =	sadd.s32 $0x380, s18  }
0xe1: {  	[spmem:s2] =	stream.indirect.scatter.add.f32 [tilespmem:s12], [sflag:$0x1], $0x10, s23, s14, $0xb8;
	[tilespmem:$0x9000] =	vst v63  }
0xe2: {  	s24 =	sadd.s32 $0x400, s18  }
0xe3: {  	[spmem:s2] =	stream.indirect.scatter.add.f32 [tilespmem:s12], [sflag:$0x1], $0x10, s24, s14, $0xb8;
	[tilespmem:$0x9000] =	vst v63  }
0xe4: {  	s25 =	sadd.s32 $0x480, s18  }
0xe5: {  	[spmem:s2] =	stream.indirect.scatter.add.f32 [tilespmem:s12], [sflag:$0x1], $0x10, s25, s14, $0xb8;
	[tilespmem:$0x9000] =	vst v63  }
0xe6: {  	s26 =	sadd.s32 $0x500, s18  }
0xe7: {  	[spmem:s2] =	stream.indirect.scatter.add.f32 [tilespmem:s12], [sflag:$0x1], $0x10, s26, s14, $0xb8;
	[tilespmem:$0x9000] =	vst v63  }
0xe8: {  	s28 =	sadd.s32 $0x580, s18  }
0xe9: {  	[spmem:s2] =	stream.indirect.scatter.add.f32 [tilespmem:s12], [sflag:$0x1], $0x10, s28, s14, $0xb8;
	[tilespmem:$0x9000] =	vst v63  }
0xea: {  	s29 =	sadd.s32 $0x600, s18  }
0xeb: {  	[spmem:s2] =	stream.indirect.scatter.add.f32 [tilespmem:s12], [sflag:$0x1], $0x10, s29, s14, $0xb8;
	[tilespmem:$0x9000] =	vst v63  }
0xec: {  	s30 =	sadd.s32 $0x680, s18  }
0xed: {  	[spmem:s2] =	stream.indirect.scatter.add.f32 [tilespmem:s12], [sflag:$0x1], $0x10, s30, s14, $0xb8;
	[tilespmem:$0x9000] =	vst v63  }
0xee: {  	s31 =	sadd.s32 $0x700, s18  }
0xef: {  	[spmem:s2] =	stream.indirect.scatter.add.f32 [tilespmem:s12], [sflag:$0x1], $0x10, s31, s14, $0xb8;
	[tilespmem:$0x9000] =	vst v63  }
0xf0: {  	s18 =	sadd.s32 $0x780, s18  }
0xf1: {  	[spmem:s2] =	stream.indirect.scatter.add.f32 [tilespmem:s12], [sflag:$0x1], $0x10, s18, s14, $0xb8;
	[tilespmem:$0x9000] =	vst v63  }
0xf2: {  	_ =	swait.ge [sflag:s15], $0x800  }
0xf3: {  	[sflag:s15] =	ssyncset.done $0x0  }
0xf4: {  	[sflag:s15] =	ssyncadd.s32 $0xFFFFF800  }
0xf5: {  	_ =	swait.ge [sflag:s15], $0x800  }
0xf6: {  	[sflag:s15] =	ssyncset.done $0x0  }
0xf7: {  	[sflag:s15] =	ssyncadd.s32 $0xFFFFF800  }
0xf8: {  	_ =	swait.ge [sflag:s15], $0x800  }
0xf9: {  	[sflag:s15] =	ssyncset.done $0x0  }
0xfa: {  	[sflag:s15] =	ssyncadd.s32 $0xFFFFF800  }
0xfb: {  	_ =	swait.ge [sflag:s15], $0x800  }
0xfc: {  	[sflag:s15] =	ssyncset.done $0x0  }
0xfd: {  	[sflag:s15] =	ssyncadd.s32 $0xFFFFF800  }
0xfe: {  	_ =	swait.ge [sflag:s15], $0x800  }
0xff: {  	[sflag:s15] =	ssyncset.done $0x0  }
0x100: {  	[sflag:s15] =	ssyncadd.s32 $0xFFFFF800  }
0x101: {  	_ =	swait.ge [sflag:s15], $0x800  }
0x102: {  	[sflag:s15] =	ssyncset.done $0x0  }
0x103: {  	[sflag:s15] =	ssyncadd.s32 $0xFFFFF800  }
0x104: {  	_ =	swait.ge [sflag:s15], $0x800  }
0x105: {  	[sflag:s15] =	ssyncset.done $0x0  }
0x106: {  	[sflag:s15] =	ssyncadd.s32 $0xFFFFF800  }
0x107: {  	_ =	swait.ge [sflag:s15], $0x800  }
0x108: {  	[sflag:s15] =	ssyncset.done $0x0  }
0x109: {  	[sflag:s15] =	ssyncadd.s32 $0xFFFFF800  }
0x10a: {  	_ =	swait.ge [sflag:s15], $0x800  }
0x10b: {  	[sflag:s15] =	ssyncset.done $0x0  }
0x10c: {  	[sflag:s15] =	ssyncadd.s32 $0xFFFFF800  }
0x10d: {  	_ =	swait.ge [sflag:s15], $0x800  }
0x10e: {  	[sflag:s15] =	ssyncset.done $0x0  }
0x10f: {  	[sflag:s15] =	ssyncadd.s32 $0xFFFFF800  }
0x110: {  	_ =	swait.ge [sflag:s15], $0x800  }
0x111: {  	[sflag:s15] =	ssyncset.done $0x0  }
0x112: {  	[sflag:s15] =	ssyncadd.s32 $0xFFFFF800  }
0x113: {  	_ =	swait.ge [sflag:s15], $0x800  }
0x114: {  	[sflag:s15] =	ssyncset.done $0x0  }
0x115: {  	[sflag:s15] =	ssyncadd.s32 $0xFFFFF800  }
0x116: {  	_ =	swait.ge [sflag:s15], $0x800  }
0x117: {  	[sflag:s15] =	ssyncset.done $0x0  }
0x118: {  	[sflag:s15] =	ssyncadd.s32 $0xFFFFF800  }
0x119: {  	_ =	swait.ge [sflag:s15], $0x800  }
0x11a: {  	[sflag:s15] =	ssyncset.done $0x0  }
0x11b: {  	[sflag:s15] =	ssyncadd.s32 $0xFFFFF800  }
0x11c: {  	_ =	swait.ge [sflag:s15], $0x800  }
0x11d: {  	[sflag:s15] =	ssyncset.done $0x0  }
0x11e: {  	[sflag:s15] =	ssyncadd.s32 $0xFFFFF800  }
0x11f: {  	_ =	swait.ge [sflag:s15], $0x800  }
0x120: {  	s3 =	sadd.s32 $0x1, s3;
	[sflag:s15] =	ssyncset.done $0x0  }
0x121: {  	p0 =	sne.s32 s3, s11;
	[sflag:s15] =	ssyncadd.s32 $0xFFFFF800  }
.Ltmp3:
0x122: {  	[bflag:$0x0] =	sbarrier.arrive $0xFFFF;
	(pc) =	sbr.rel @p0 .LBB2_1-.Ltmp3, $4  }
0x123: {  	[hbm:s10], [sflag:s16] =	dma.local [spmem:s17], $0x2800  }
0x124: {  	_ =	swait.ge [sflag:s13], $0x2800  }
0x125: {  	[sflag:s13] =	ssyncset.done $0x0  }
0x126: {  	[sflag:s13] =	ssyncadd.s32 $0xFFFFD800  }
0x127: {  	_ =	sfence.sel $0x180000  }
0x128: {  	[bflag:$0x0] =	sbarrier.arrive $0xFFFF  }
0x129: {  	p0 =	sne.s32 s0, $0x0;
	_ =	strace $0x90000047  }
0x12a: {  	s0 =	sadd.s32 @!p0 $0x100000, s1;
	[bflag:$0x2] =	sbarrier.arrive $0xFFFF  }
0x12b: {  	[sflag:s0] =	ssyncadd.tile.s32 @!p0 $0x1;
	_ =	shalt  }
.Lfunc_end2:
_tile_overlayer_lowered:
.L_overlay_start_2:
0x12c: {  	(tag) =	ssettag $0x2  }
0x12d: {  	s0 =	rddreg [dreg:$0x0];
	s2 =	stileid.u32  }
0x12e: {  	s1 =	rddreg [dreg:$0x1];
	p0 =	sne.s32 s2, $0x0  }
0x12f: {  	s3 =	rddreg [dreg:$0x2];
	[bflag:$0x3] =	sbarrier.arrive $0xFFFF;
	s2 =	simm.s32 @!p0 $0x1C02  }
0x130: {  	[timem:s3], [sflag:s2] =	dma.local @!p0 [hbm:s0], s1  }
0x131: {  	s0 =	simm.s32 @!p0 $0x2  }
0x132: {  	_ =	swait.ge @!p0 [sflag:s0], s1  }
0x133: {  	s1 =	ssub.s32 @!p0 $0x0, s1;
	[sflag:s0] =	ssyncset.done @!p0 $0x0  }
0x134: {  	[sflag:s0] =	ssyncadd.s32 @!p0 s1  }
0x135: {  	[bflag:$0x3] =	sbarrier.arrive $0xFFFF  }
0x136: {  	_ =	shalt  }

// kernel: kernel.9.cloned.1.call-start
scs
__scs_entry_jumppad:
0x0: {  	(pc) =	sbr.rel $0x88, $3  }
0x1: {  	(tag) =	ssettag $0x0;
	lr =	simm.s32 $0x1  }
0x2: {  	[smem:$0x3F9D] =	sst lr;
	_ =	strace $0xD0000000  }
0x3: {  	_ = 	snop  }
0x4: {  	_ = 	snop  }
0x5: {  	_ = 	snop  }
0x6: {  	_ = 	snop  }
0x7: {  	_ = 	snop  }
__scs_overlays_trampoline_lowered:
0x8: {  	[smem:$0x3FAC] =	sst s0  }
0x9: {  	[smem:$0x3FAD] =	sst s1  }
0xa: {  	[smem:$0x3FAE] =	sst s2  }
0xb: {  	[smem:$0x3FAF] =	sst s3  }
0xc: {  	[smem:$0x3FB0] =	sst s4  }
0xd: {  	[smem:$0x3FB1] =	sst s5  }
0xe: {  	[smem:$0x3FB2] =	sst s6  }
0xf: {  	[smem:$0x3FB3] =	sst s7  }
0x10: {  	[smem:$0x3FB4] =	sst s8  }
0x11: {  	[smem:$0x3FB5] =	sst s9;
	s0 =	simm.s32 @!p0 $0x0  }
0x12: {  	s1 =	sld [smem:$0x3F9B];
	s0 =	simm.s32 @p0 $0x1  }
0x13: {  	[smem:$0x3FB6] =	sst s0;
	s0 =	simm.s32 @!p1 $0x0  }
0x14: {  	s2 =	sld [smem:$0x3F9A];
	s0 =	simm.s32 @p1 $0x1  }
0x15: {  	[smem:$0x3FB7] =	sst s0;
	s0 =	simm.s32 @!p2 $0x0  }
0x16: {  	s3 =	sld [smem:$0x3FDB];
	s0 =	simm.s32 @p2 $0x1  }
0x17: {  	s4 =	simm.s32 $0x1BF5;
	[smem:$0x3FB9] =	sst s0  }
0x18: {  	s0 =	sld [smem:$0x3F9C];
	_ =	swait.ge [sflag:s4], $0x0  }
0x19: {  	s7 =	sld [smem:$0x3F9D]  }
0x1a: {  	s8 =	sadd.s32 $0xFFFFE003, lr  }
0x1b: {  	s9 =	sadd.s32 $0xFFFFFEF7, lr;
	s5 =	simm.s32 $0xFFFFFFFF;
	p2 =	slt.u32 s8, $0xFFFFF086  }
0x1c: {  	p1 =	slt.u32 s9, $0xF7A;
	s5 =	simm.s32 @!p2 $0x0  }
0x1d: {  	s5 =	simm.s32 @p1 $0x1;
	p0 =	seq.s32 s7, s2  }
0x1e: {  	s7 =	smul.u32 @!p0 $0xF7A, s2;
	p2 =	seq.s32 @!p0 s5, $0x0  }
0x1f: {  	s9 =	smul.u32 $0xF7A, s1;
	s8 =	simm.s32 @!p0 $0x1BF5;
	p2 =	por !p2, p0  }
0x20: {  	[sflag:s8] =	ssyncset.s32 @!p0 $0xFFFFF086;
	s6 =	sadd.s32 @!p0 s3, s7;
	s7 =	simm.s32 @!p0 $0x108  }
0x21: {  	s3 =	sadd.s32 s3, s9;
	s6 =	sadd.s32 @!p0 $0x88, s6;
	s7 =	simm.s32 @p2 $0x1082  }
0x22: {  	[simem:s7], [sflag:s8] =	dma.local @!p0 [hbm:s6], $0xF7A  }
0x23: {  	s9 =	sor.u32 $0xD0000000, s2;
	s6 =	simm.s32 $0x108;
	_ =	swait.ge @!p0 [sflag:s8], $0x0  }
0x24: {  	s3 =	sadd.s32 $0x88, s3;
	s6 =	simm.s32 @!p1 $0x1082;
	[sflag:s4] =	ssyncset.s32 $0xFFFFF086  }
0x25: {  	[simem:s6], [sflag:s4] =	dma.local [hbm:s3], $0xF7A  }
0x26: {  	[smem:$0x3F9D] =	sst s1;
	(tag) =	ssettag s2;
	_ =	strace s9  }
0x27: {  	s1 =	sld [smem:$0x3FAD]  }
0x28: {  	s2 =	sld [smem:$0x3FAE]  }
0x29: {  	s4 =	sld [smem:$0x3FB0]  }
0x2a: {  	p0 =	seq.s32 s5, $0x0;
	s5 =	sld [smem:$0x3FB1]  }
0x2b: {  	s6 =	sld [smem:$0x3FB2]  }
0x2c: {  	s7 =	sld [smem:$0x3FB3]  }
0x2d: {  	s3 =	simm.s32 $0x108;
	s8 =	sld [smem:$0x3FB4]  }
0x2e: {  	s3 =	simm.s32 @!p0 $0x1082;
	s9 =	sld [smem:$0x3FB5]  }
0x2f: {  	lr =	sadd.s32 s0, s3;
	s0 =	sld [smem:$0x3FAC]  }
0x30: {  	s3 =	sld [smem:$0x3FAF]  }
0x31: {  	[smem:$0x3FB8] =	sst s10  }
0x32: {  	s10 =	sld [smem:$0x3FB6];
	_ =	sdelay $0x3  }
0x33: {  	p0 =	seq.s32 s10, $0x1;
	s10 =	sld [smem:$0x3FB8];
	_ =	sdelay $0x3  }
0x34: {  	[smem:$0x3FB8] =	sst s10  }
0x35: {  	s10 =	sld [smem:$0x3FB7];
	_ =	sdelay $0x3  }
0x36: {  	p1 =	seq.s32 s10, $0x1;
	s10 =	sld [smem:$0x3FB8];
	_ =	sdelay $0x3  }
0x37: {  	[smem:$0x3FB8] =	sst s10  }
0x38: {  	s10 =	sld [smem:$0x3FB9]  }
0x39: {  	_ = 	snop;
	(pc) =	sbr.ind lr, $3  }
0x3a: {  	_ = 	snop  }
0x3b: {  	_ = 	snop  }
0x3c: {  	p2 =	seq.s32 s10, $0x1;
	s10 =	sld [smem:$0x3FB8]  }
0x3d: {  	_ =	shalt  }
0x3e: {  	_ =	shalt  }
0x3f: {  	_ =	shalt  }
0x40: {  	_ =	shalt  }
0x41: {  	_ =	shalt  }
0x42: {  	_ =	shalt  }
0x43: {  	_ =	shalt  }
0x44: {  	_ =	shalt  }
0x45: {  	_ =	shalt  }
0x46: {  	_ =	shalt  }
0x47: {  	_ =	shalt  }
0x48: {  	_ =	shalt  }
0x49: {  	_ =	shalt  }
0x4a: {  	_ =	shalt  }
0x4b: {  	_ =	shalt  }
0x4c: {  	_ =	shalt  }
0x4d: {  	_ =	shalt  }
0x4e: {  	_ =	shalt  }
0x4f: {  	_ =	shalt  }
0x50: {  	_ =	shalt  }
0x51: {  	_ =	shalt  }
0x52: {  	_ =	shalt  }
0x53: {  	_ =	shalt  }
0x54: {  	_ =	shalt  }
0x55: {  	_ =	shalt  }
0x56: {  	_ =	shalt  }
0x57: {  	_ =	shalt  }
0x58: {  	_ =	shalt  }
0x59: {  	_ =	shalt  }
0x5a: {  	_ =	shalt  }
0x5b: {  	_ =	shalt  }
0x5c: {  	_ =	shalt  }
0x5d: {  	_ =	shalt  }
0x5e: {  	_ =	shalt  }
0x5f: {  	_ =	shalt  }
0x60: {  	_ =	shalt  }
0x61: {  	_ =	shalt  }
0x62: {  	_ =	shalt  }
0x63: {  	_ =	shalt  }
0x64: {  	_ =	shalt  }
0x65: {  	_ =	shalt  }
0x66: {  	_ =	shalt  }
0x67: {  	_ =	shalt  }
0x68: {  	_ =	shalt  }
0x69: {  	_ =	shalt  }
0x6a: {  	_ =	shalt  }
0x6b: {  	_ =	shalt  }
0x6c: {  	_ =	shalt  }
0x6d: {  	_ =	shalt  }
0x6e: {  	_ =	shalt  }
0x6f: {  	_ =	shalt  }
0x70: {  	_ =	shalt  }
0x71: {  	_ =	shalt  }
0x72: {  	_ =	shalt  }
0x73: {  	_ =	shalt  }
0x74: {  	_ =	shalt  }
0x75: {  	_ =	shalt  }
0x76: {  	_ =	shalt  }
0x77: {  	_ =	shalt  }
0x78: {  	_ =	shalt  }
0x79: {  	_ =	shalt  }
0x7a: {  	_ =	shalt  }
0x7b: {  	_ =	shalt  }
0x7c: {  	_ =	shalt  }
0x7d: {  	_ =	shalt  }
0x7e: {  	_ =	shalt  }
0x7f: {  	_ =	shalt  }
0x80: {  	_ =	shalt  }
0x81: {  	_ =	shalt  }
0x82: {  	_ =	shalt  }
0x83: {  	_ =	shalt  }
0x84: {  	_ =	shalt  }
0x85: {  	_ =	shalt  }
0x86: {  	_ =	shalt  }
0x87: {  	_ =	shalt  }
.Lfunc_end0:
.L_simem_size_0:
called_computation.1_lowered:
.L_overlay_start_0:
0x88: {  	s2 =	sld [smem:$0x3FD9]  }
0x89: {  	s3 =	sld [smem:$0x3FFE];
	_ =	sdelay $0x1  }
0x8a: {  	s1 =	srdreg.scid  }
0x8b: {  	s0 =	sand.u32 $0x1, s1  }
0x8c: {  	s17 =	sshll.u32 s0, $0xA;
	s2 =	sadd.s32 s3, s2  }
0x8d: {  	s2 =	sadd.s32 s2, s17  }
0x8e: {  	[smem:$0x3FC4] =	sst s2  }
0x8f: {  	_ = 	snop  }
0x90: {  	s2 =	sld [smem:$0x3FD0];
	(tm) =	ssettm $0x1  }
0x91: {  	s18 =	sld [smem:$0x3FFB];
	_ =	sdelay $0x3  }
0x92: {  	_ =	strace s18  }
0x93: {  	s3 =	sld [smem:$0x3FFC];
	_ =	sdelay $0x3  }
0x94: {  	_ =	strace s3  }
0x95: {  	s3 =	sld [smem:$0x3FFD];
	_ =	sdelay $0x3  }
0x96: {  	_ =	strace s3  }
0x97: {  	_ =	strace $0x8FFFFFFF  }
0x98: {  	s19 =	sld [smem:$0x3FDB];
	_ =	sdelay $0x1  }
0x99: {  	s4 =	simm.s32 $_scs_section_size  }
0x9a: {  	s5 =	simm.s32 $_size__tile_overlayer_lowered;
	s6 =	simm.s32 $_tile_overlayer_lowered  }
0x9b: {  	s22 =	simm.s32 $0x1BFF;
	s21 =	sshll.u32 s6, $0x1;
	s3 =	sadd.s32 s4, s19  }
0x9c: {  	s7 =	simm.s32 $0x0;
	s20 =	sshll.u32 s5, $0x1;
	s5 =	sadd.s32 s21, s3  }
0x9d: {  	[timem:s7], [sflag:s22] =	dma.local [hbm:s5], s20  }
0x9e: {  	_ =	swait.ge [sflag:s22], s20  }
0x9f: {  	s4 =	ssub.s32 $0x0, s20;
	[sflag:s22] =	ssyncset.done $0x0  }
0xa0: {  	[sflag:s22] =	ssyncadd.s32 s4;
	_ =	sdelay $0x1  }
0xa1: {  	s23 =	simm.s32 $0x1B8B  }
0xa2: {  	_ =	swait.ge [sflag:s23], $0x1  }
0xa3: {  	[sflag:s23] =	ssyncset.done $0x0  }
0xa4: {  	s25 =	simm.s32 $0x1B8E;
	s24 =	sld [smem:$0x3FFE];
	[sflag:s23] =	ssyncadd.s32 $0xFFFFFFFF  }
0xa5: {  	s26 =	simm.s32 $execute0_lowered;
	[smem:$0x3FD2] =	sst s25  }
0xa6: {  	s5 =	sshll.u32 s26, $0x1;
	_ =	strace $0x80000049;
	[dreg:$0x1] =	wrdreg $0xFFFFFFFF  }
0xa7: {  	s28 =	simm.s32 $_size_execute0_lowered;
	s3 =	sadd.s32 s3, s5;
	[dreg:$0x0] =	wrdreg $0x0  }
0xa8: {  	s5 =	sshll.u32 s28, $0x1;
	[dreg:$0x2] =	wrdreg s3  }
0xa9: {  	[dreg:$0x3] =	wrdreg s5  }
0xaa: {  	[dreg:$0x4] =	wrdreg $0xC0  }
0xab: {  	_ =	task [dreg:s7], $0x5FFFF  }
0xac: {  	[dreg:$0x1] =	wrdreg $0xFFFFFFFF  }
0xad: {  	[dreg:$0x0] =	wrdreg $0x60  }
0xae: {  	[dreg:$0x2] =	wrdreg s24  }
0xaf: {  	[dreg:$0x3] =	wrdreg s2  }
0xb0: {  	[dreg:$0x4] =	wrdreg $0x90000  }
0xb1: {  	[dreg:$0x5] =	wrdreg $0x9  }
0xb2: {  	_ =	task.clear_ibuf [dreg:s7], $0x6FFFF;
	_ =	strace $0x90000049  }
0xb3: {  	s29 =	simm.s32 $0x9;
	_ =	strace $0x8000004B  }
0xb4: {  	_ =	swait.ge [sflag:s29], $0x1  }
0xb5: {  	[sflag:s29] =	ssyncadd.s32 $0xFFFFFFFF  }
0xb6: {  	_ =	strace $0x9000004B  }
0xb7: {  	_ =	sfence  }
0xb8: {  	s30 =	sld [smem:$0x0];
	_ =	sdelay $0x2  }
0xb9: {  	s31 =	sshll.u32 s1, $0xD;
	s1 =	sshrl.u32 s1, $0x2  }
0xba: {  	s3 =	sand.u32 $0x4000, s31;
	s1 =	sadd.s32 s1, s30  }
0xbb: {  	s0 =	sor.u32 s3, s0;
	s1 =	sshll.u32 s1, $0x11  }
0xbc: {  	s0 =	sor.u32 s1, s0  }
0xbd: {  	s0 =	sadd.s32 $0x8F2B, s0  }
0xbe: {  	[sflag:s0] =	ssyncadd.remote.s32 $0x1  }
0xbf: {  	_ =	sfence.sel $0xFFFF  }
0xc0: {  	[dreg:$0x0] =	wrdreg $0xFFFFFFFF;
	(pc) =	sbr.abs _section_cstart, $3  }
0xc1: {  	[dreg:$0x1] =	wrdreg $0xFFFFFFFF  }
0xc2: {  	_ =	task.clear_ibuf [dreg:s7], $0x2FFFF;
	_ =	strace $0x9FFFFFFF  }
0xc3: {  	(tm) =	ssettm $0x7FFFFFFF  }
tec
execute0_lowered:
.L_overlay_start_1:
0x0: {  	(tag) =	ssettag $0x1  }
0x1: {  	s0 =	rddreg [dreg:$0x0]  }
0x2: {  	s1 =	srdreg.scid;
	s5 =	rddreg [dreg:$0x1]  }
0x3: {  	s10 =	stileid.u32;
	s2 =	rddreg [dreg:$0x2]  }
0x4: {  	s3 =	simm.s32 $0x0;
	s12 =	simm.s32 $0x100;
	s14 =	simm.s32 $0x880  }
0x5: {  	s16 =	simm.s32 $0x180;
	s18 =	simm.s32 $0x900;
	[smem:$0x7FF] =	sst s3  }
0x6: {  	s19 =	simm.s32 $0x200;
	_ =	strace $0x8000004A;
	[dreg:$0x6] =	wrdreg s12  }
0x7: {  	s20 =	simm.s32 $0x980;
	s21 =	simm.s32 $0x280;
	[dreg:$0x7] =	wrdreg s14  }
0x8: {  	s22 =	simm.s32 $0xA00;
	s23 =	simm.s32 $0x300;
	[dreg:$0x8] =	wrdreg s16  }
0x9: {  	s24 =	simm.s32 $0xA80;
	s28 =	simm.s32 $0x600;
	[dreg:$0x9] =	wrdreg s18  }
0xa: {  	s29 =	simm.s32 $0xD80;
	s4 =	smul.u32 $0x5000, s10;
	[dreg:$0xa] =	wrdreg s19  }
0xb: {  	s30 =	simm.s32 $0x680;
	s8 =	smul.u32 $0x14000, s10;
	[dreg:$0xb] =	wrdreg s20  }
0xc: {  	s1 =	sand.u32 $0x1, s1;
	s10 =	smul.u32 $0x50000, s10;
	[dreg:$0xc] =	wrdreg s21  }
0xd: {  	s31 =	simm.s32 $0xE00;
	s6 =	smul.u32 $0x2800, s1;
	[dreg:$0xd] =	wrdreg s22  }
0xe: {  	s25 =	smul.u32 $0x140000, s1;
	s1 =	ssub.s32 $0x2, s1;
	[dreg:$0xe] =	wrdreg s23  }
0xf: {  	s12 =	simm.s32 $0x1000;
	s14 =	simm.s32 $0x800;
	[dreg:$0xf] =	wrdreg s24  }
0x10: {  	s16 =	simm.s32 $0x5000;
	s18 =	simm.s32 $0x2;
	s19 =	simm.s32 $0x400  }
0x11: {  	s20 =	simm.s32 $0xB80;
	s21 =	simm.s32 $0x480;
	s22 =	simm.s32 $0xC00  }
0x12: {  	s23 =	simm.s32 $0x500;
	s24 =	simm.s32 $0xC80;
	s26 =	sshrl.u32 s1, $0x1  }
0x13: {  	s10 =	sshrl.u32 s10, $0x2;
	s4 =	sadd.s32 s6, s4;
	s6 =	sadd.s32 s8, s25  }
0x14: {  	s1 =	ssub.s32 s1, s26;
	s25 =	simm.s32 $0x380;
	s26 =	simm.s32 $0xB00  }
0x15: {  	s7 =	sshrl.u32 s4, $0x3;
	s4 =	sadd.s32 $0x1200, s0;
	[dreg:$0x10] =	wrdreg s25  }
0x16: {  	s6 =	sshrl.u32 s6, $0x3;
	s1 =	smax.u32 s1, $0x1;
	[dreg:$0x11] =	wrdreg s26  }
0x17: {  	s9 =	sadd.s32 s7, s0;
	s5 =	sadd.s32 s7, s5;
	[dreg:$0x18] =	wrdreg s1  }
0x18: {  	s0 =	sadd.s32 s6, s0;
	s6 =	sadd.s32 s10, s2;
	[dreg:$0x4] =	wrdreg s5  }
0x19: {  	s8 =	simm.s32 $0xF80;
	s11 =	sadd.s32 $0x51200, s9;
	[dreg:$0x12] =	wrdreg s6  }
0x1a: {  	s25 =	simm.s32 $0x580;
	s13 =	sadd.s32 $0x4000, s6;
	[dreg:$0x5] =	wrdreg s11  }
0x1b: {  	s26 =	simm.s32 $0xD00;
	s15 =	sadd.s32 $0x8000, s6;
	[dreg:$0x13] =	wrdreg s13  }
0x1c: {  	s1 =	simm.s32 $0x700;
	s17 =	sadd.s32 $0xC000, s6;
	[dreg:$0x14] =	wrdreg s15  }
0x1d: {  	s7 =	simm.s32 $0xF00;
	s6 =	sadd.s32 $0x10000, s6;
	[dreg:$0x15] =	wrdreg s17  }
0x1e: {  	s0 =	sadd.s32 $0x5B200, s0;
	s9 =	simm.s32 $0x0;
	[dreg:$0x16] =	wrdreg s6  }
0x1f: {  	[dreg:$0x17] =	wrdreg s0;
	s13 =	simm.s32 $0x3;
	s15 =	simm.s32 $0x80  }
0x20: {  	v0 =	vimm.f32 $0.0e+00;
	s17 =	simm.s32 $0x1;
	s0 =	simm.s32 $0xE80;
	s6 =	simm.s32 $0x780  }
.LBB2_1:
0x21: {  	s10 =	simm.s32 $0x0;
	s11 =	simm.s32 $0x200  }
.LBB2_2:
0x22: {  	p0 =	sne.s32 s11, $0xFE00;
	[tilespmem:s10+$0x1070] =	vst v0  }
0x23: {  	[tilespmem:s10+$0x1000] =	vst v0  }
0x24: {  	[tilespmem:s10+$0x1010] =	vst v0  }
.Ltmp0:
0x25: {  	[tilespmem:s10+$0x1020] =	vst v0;
	(pc) =	sbr.rel @p0 .LBB2_2-.Ltmp0, $4  }
0x26: {  	[tilespmem:s10+$0x1030] =	vst v0  }
0x27: {  	[tilespmem:s10+$0x1040] =	vst v0  }
0x28: {  	[tilespmem:s10+$0x1050] =	vst v0  }
0x29: {  	[tilespmem:s10+$0x1060] =	vst v0;
	s10 =	sshra.s32 s11, $0x2;
	s11 =	sadd.s32 $0x200, s11  }
0x2a: {  	[tilespmem:s10+$0x1070] =	vst v0  }
0x2b: {  	[tilespmem:s10+$0x1000] =	vst v0  }
0x2c: {  	[tilespmem:s10+$0x1010] =	vst v0  }
0x2d: {  	[tilespmem:s10+$0x1020] =	vst v0  }
0x2e: {  	[tilespmem:s10+$0x1030] =	vst v0  }
0x2f: {  	[tilespmem:s10+$0x1040] =	vst v0  }
0x30: {  	[dreg:$0x19] =	wrdreg s9;
	[tilespmem:s10+$0x1050] =	vst v0  }
0x31: {  	[tilespmem:s10+$0x1060] =	vst v0;
	s5 =	rddreg [dreg:$0x12]  }
0x32: {  	[spmem:s5] =	stream.linear.scatter [tilespmem:s12], [sflag:$0x3], $0x4000, $0x38;
	[tilespmem:$0x1D000] =	vst v63  }
0x33: {  	_ =	swait.ge [sflag:s13], $0x4000  }
0x34: {  	[sflag:s13] =	ssyncset.done $0x0  }
0x35: {  	s9 =	rddreg [dreg:$0x13];
	[sflag:s13] =	ssyncadd.s32 $0xFFFFC000  }
0x36: {  	[spmem:s9] =	stream.linear.scatter [tilespmem:s12], [sflag:$0x3], $0x4000, $0x38;
	[tilespmem:$0x1D000] =	vst v63  }
0x37: {  	_ =	swait.ge [sflag:s13], $0x4000  }
0x38: {  	[sflag:s13] =	ssyncset.done $0x0  }
0x39: {  	s10 =	rddreg [dreg:$0x14];
	[sflag:s13] =	ssyncadd.s32 $0xFFFFC000  }
0x3a: {  	[spmem:s10] =	stream.linear.scatter [tilespmem:s12], [sflag:$0x3], $0x4000, $0x38;
	[tilespmem:$0x1D000] =	vst v63  }
0x3b: {  	_ =	swait.ge [sflag:s13], $0x4000  }
0x3c: {  	[sflag:s13] =	ssyncset.done $0x0  }
0x3d: {  	s11 =	rddreg [dreg:$0x15];
	[sflag:s13] =	ssyncadd.s32 $0xFFFFC000  }
0x3e: {  	[spmem:s11] =	stream.linear.scatter [tilespmem:s12], [sflag:$0x3], $0x4000, $0x38;
	[tilespmem:$0x1D000] =	vst v63  }
0x3f: {  	_ =	swait.ge [sflag:s13], $0x4000  }
0x40: {  	[sflag:s13] =	ssyncset.done $0x0  }
0x41: {  	s9 =	rddreg [dreg:$0x16];
	[sflag:s13] =	ssyncadd.s32 $0xFFFFC000  }
0x42: {  	[spmem:s9] =	stream.linear.scatter [tilespmem:s12], [sflag:$0x3], $0x4000, $0x38;
	[tilespmem:$0x1D000] =	vst v63  }
0x43: {  	_ =	swait.ge [sflag:s13], $0x4000  }
0x44: {  	[sflag:s13] =	ssyncset.done $0x0  }
0x45: {  	[sflag:s13] =	ssyncadd.s32 $0xFFFFC000  }
0x46: {  	[bflag:$0x0] =	sbarrier.arrive $0xFFFF  }
0x47: {  	s10 =	rddreg [dreg:$0x5]  }
0x48: {  	s5 =	sadd.s32 $0x0, s10  }
0x49: {  	[tilespmem:s3], [sflag:$0x3] =	stream.linear.gather [hbm4b:s5+s3], $0x800, $0x38;
	[tilespmem:$0x1D000] =	vst v63  }
0x4a: {  	_ =	swait.ge [sflag:s13], $0x800  }
0x4b: {  	s11 =	rddreg [dreg:$0x4];
	[sflag:s13] =	ssyncset.done $0x0  }
0x4c: {  	[sflag:s13] =	ssyncadd.s32 $0xFFFFF800;
	s5 =	sadd.s32 $0x0, s11  }
0x4d: {  	[tilespmem:s14], [sflag:$0x3] =	stream.linear.gather [hbm4b:s5+s3], $0x800, $0x38;
	[tilespmem:$0x1D000] =	vst v63  }
0x4e: {  	_ =	swait.ge [sflag:s13], $0x800  }
0x4f: {  	[sflag:s13] =	ssyncset.done $0x0  }
0x50: {  	[sflag:s13] =	ssyncadd.s32 $0xFFFFF800  }
0x51: {  	[tilespmem:s12], [sflag:$0x1] =	stream.indirect.gather [hbm4b:s4+s15], $0x80, s3, s15, $0xb8;
	[tilespmem:$0x1D000] =	vst v63  }
0x52: {  	_ = 	snop  }
0x53: {  	[tilespmem:s16], [sflag:$0x2] =	stream.indirect.gather [hbm4b:s4+s15], $0x80, s15, s15, $0xb8;
	[tilespmem:$0x1D000] =	vst v63  }
0x54: {  	_ =	swait.ge [sflag:s17], $0x4000  }
0x55: {  	[sflag:s17] =	ssyncset.done $0x0  }
0x56: {  	[sflag:s17] =	ssyncadd.s32 $0xFFFFC000  }
0x57: {  	[spmem:s2] =	stream.indirect.scatter.add.f32 [tilespmem:s12], [sflag:$0x3], $0x80, s14, s15, $0xb8;
	[tilespmem:$0x1D000] =	vst v63  }
0x58: {  	_ =	swait.ge [sflag:s13], $0x4000  }
0x59: {  	[sflag:s13] =	ssyncset.done $0x0  }
0x5a: {  	s9 =	rddreg [dreg:$0x6];
	[sflag:s13] =	ssyncadd.s32 $0xFFFFC000  }
0x5b: {  	[tilespmem:s12], [sflag:$0x1] =	stream.indirect.gather [hbm4b:s4+s15], $0x80, s9, s15, $0xb8;
	[tilespmem:$0x1D000] =	vst v63  }
0x5c: {  	_ =	swait.ge [sflag:s18], $0x4000  }
0x5d: {  	[sflag:s18] =	ssyncset.done $0x0  }
0x5e: {  	s10 =	rddreg [dreg:$0x7];
	[sflag:s18] =	ssyncadd.s32 $0xFFFFC000  }
0x5f: {  	[spmem:s2] =	stream.indirect.scatter.add.f32 [tilespmem:s16], [sflag:$0x3], $0x80, s10, s15, $0xb8;
	[tilespmem:$0x1D000] =	vst v63  }
0x60: {  	_ =	swait.ge [sflag:s13], $0x4000  }
0x61: {  	[sflag:s13] =	ssyncset.done $0x0  }
0x62: {  	s11 =	rddreg [dreg:$0x8];
	[sflag:s13] =	ssyncadd.s32 $0xFFFFC000  }
0x63: {  	[tilespmem:s16], [sflag:$0x2] =	stream.indirect.gather [hbm4b:s4+s15], $0x80, s11, s15, $0xb8;
	[tilespmem:$0x1D000] =	vst v63  }
0x64: {  	_ =	swait.ge [sflag:s17], $0x4000  }
0x65: {  	[sflag:s17] =	ssyncset.done $0x0  }
0x66: {  	s9 =	rddreg [dreg:$0x9];
	[sflag:s17] =	ssyncadd.s32 $0xFFFFC000  }
0x67: {  	[spmem:s2] =	stream.indirect.scatter.add.f32 [tilespmem:s12], [sflag:$0x3], $0x80, s9, s15, $0xb8;
	[tilespmem:$0x1D000] =	vst v63  }
0x68: {  	_ =	swait.ge [sflag:s13], $0x4000  }
0x69: {  	[sflag:s13] =	ssyncset.done $0x0  }
0x6a: {  	s10 =	rddreg [dreg:$0xa];
	[sflag:s13] =	ssyncadd.s32 $0xFFFFC000  }
0x6b: {  	[tilespmem:s12], [sflag:$0x1] =	stream.indirect.gather [hbm4b:s4+s15], $0x80, s10, s15, $0xb8;
	[tilespmem:$0x1D000] =	vst v63  }
0x6c: {  	_ =	swait.ge [sflag:s18], $0x4000  }
0x6d: {  	[sflag:s18] =	ssyncset.done $0x0  }
0x6e: {  	s11 =	rddreg [dreg:$0xb];
	[sflag:s18] =	ssyncadd.s32 $0xFFFFC000  }
0x6f: {  	[spmem:s2] =	stream.indirect.scatter.add.f32 [tilespmem:s16], [sflag:$0x3], $0x80, s11, s15, $0xb8;
	[tilespmem:$0x1D000] =	vst v63  }
0x70: {  	_ =	swait.ge [sflag:s13], $0x4000  }
0x71: {  	[sflag:s13] =	ssyncset.done $0x0  }
0x72: {  	s9 =	rddreg [dreg:$0xc];
	[sflag:s13] =	ssyncadd.s32 $0xFFFFC000  }
0x73: {  	[tilespmem:s16], [sflag:$0x2] =	stream.indirect.gather [hbm4b:s4+s15], $0x80, s9, s15, $0xb8;
	[tilespmem:$0x1D000] =	vst v63  }
0x74: {  	_ =	swait.ge [sflag:s17], $0x4000  }
0x75: {  	[sflag:s17] =	ssyncset.done $0x0  }
0x76: {  	s10 =	rddreg [dreg:$0xd];
	[sflag:s17] =	ssyncadd.s32 $0xFFFFC000  }
0x77: {  	[spmem:s2] =	stream.indirect.scatter.add.f32 [tilespmem:s12], [sflag:$0x3], $0x80, s10, s15, $0xb8;
	[tilespmem:$0x1D000] =	vst v63  }
0x78: {  	_ =	swait.ge [sflag:s13], $0x4000  }
0x79: {  	[sflag:s13] =	ssyncset.done $0x0  }
0x7a: {  	s11 =	rddreg [dreg:$0xe];
	[sflag:s13] =	ssyncadd.s32 $0xFFFFC000  }
0x7b: {  	[tilespmem:s12], [sflag:$0x1] =	stream.indirect.gather [hbm4b:s4+s15], $0x80, s11, s15, $0xb8;
	[tilespmem:$0x1D000] =	vst v63  }
0x7c: {  	_ =	swait.ge [sflag:s18], $0x4000  }
0x7d: {  	[sflag:s18] =	ssyncset.done $0x0  }
0x7e: {  	s9 =	rddreg [dreg:$0xf];
	[sflag:s18] =	ssyncadd.s32 $0xFFFFC000  }
0x7f: {  	[spmem:s2] =	stream.indirect.scatter.add.f32 [tilespmem:s16], [sflag:$0x3], $0x80, s9, s15, $0xb8;
	[tilespmem:$0x1D000] =	vst v63  }
0x80: {  	_ =	swait.ge [sflag:s13], $0x4000  }
0x81: {  	[sflag:s13] =	ssyncset.done $0x0  }
0x82: {  	s10 =	rddreg [dreg:$0x10];
	[sflag:s13] =	ssyncadd.s32 $0xFFFFC000  }
0x83: {  	[tilespmem:s16], [sflag:$0x2] =	stream.indirect.gather [hbm4b:s4+s15], $0x80, s10, s15, $0xb8;
	[tilespmem:$0x1D000] =	vst v63  }
0x84: {  	_ =	swait.ge [sflag:s17], $0x4000  }
0x85: {  	[sflag:s17] =	ssyncset.done $0x0  }
0x86: {  	s11 =	rddreg [dreg:$0x11];
	[sflag:s17] =	ssyncadd.s32 $0xFFFFC000  }
0x87: {  	[spmem:s2] =	stream.indirect.scatter.add.f32 [tilespmem:s12], [sflag:$0x3], $0x80, s11, s15, $0xb8;
	[tilespmem:$0x1D000] =	vst v63  }
0x88: {  	_ =	swait.ge [sflag:s13], $0x4000  }
0x89: {  	[sflag:s13] =	ssyncset.done $0x0  }
0x8a: {  	[sflag:s13] =	ssyncadd.s32 $0xFFFFC000  }
0x8b: {  	[tilespmem:s12], [sflag:$0x1] =	stream.indirect.gather [hbm4b:s4+s15], $0x80, s19, s15, $0xb8;
	[tilespmem:$0x1D000] =	vst v63  }
0x8c: {  	_ =	swait.ge [sflag:s18], $0x4000  }
0x8d: {  	[sflag:s18] =	ssyncset.done $0x0  }
0x8e: {  	[sflag:s18] =	ssyncadd.s32 $0xFFFFC000  }
0x8f: {  	[spmem:s2] =	stream.indirect.scatter.add.f32 [tilespmem:s16], [sflag:$0x3], $0x80, s20, s15, $0xb8;
	[tilespmem:$0x1D000] =	vst v63  }
0x90: {  	_ =	swait.ge [sflag:s13], $0x4000  }
0x91: {  	[sflag:s13] =	ssyncset.done $0x0  }
0x92: {  	[sflag:s13] =	ssyncadd.s32 $0xFFFFC000  }
0x93: {  	[tilespmem:s16], [sflag:$0x2] =	stream.indirect.gather [hbm4b:s4+s15], $0x80, s21, s15, $0xb8;
	[tilespmem:$0x1D000] =	vst v63  }
0x94: {  	_ =	swait.ge [sflag:s17], $0x4000  }
0x95: {  	[sflag:s17] =	ssyncset.done $0x0  }
0x96: {  	[sflag:s17] =	ssyncadd.s32 $0xFFFFC000  }
0x97: {  	[spmem:s2] =	stream.indirect.scatter.add.f32 [tilespmem:s12], [sflag:$0x3], $0x80, s22, s15, $0xb8;
	[tilespmem:$0x1D000] =	vst v63  }
0x98: {  	_ =	swait.ge [sflag:s13], $0x4000  }
0x99: {  	[sflag:s13] =	ssyncset.done $0x0  }
0x9a: {  	[sflag:s13] =	ssyncadd.s32 $0xFFFFC000  }
0x9b: {  	[tilespmem:s12], [sflag:$0x1] =	stream.indirect.gather [hbm4b:s4+s15], $0x80, s23, s15, $0xb8;
	[tilespmem:$0x1D000] =	vst v63  }
0x9c: {  	_ =	swait.ge [sflag:s18], $0x4000  }
0x9d: {  	[sflag:s18] =	ssyncset.done $0x0  }
0x9e: {  	[sflag:s18] =	ssyncadd.s32 $0xFFFFC000  }
0x9f: {  	[spmem:s2] =	stream.indirect.scatter.add.f32 [tilespmem:s16], [sflag:$0x3], $0x80, s24, s15, $0xb8;
	[tilespmem:$0x1D000] =	vst v63  }
0xa0: {  	_ =	swait.ge [sflag:s13], $0x4000  }
0xa1: {  	[sflag:s13] =	ssyncset.done $0x0  }
0xa2: {  	[sflag:s13] =	ssyncadd.s32 $0xFFFFC000  }
0xa3: {  	[tilespmem:s16], [sflag:$0x2] =	stream.indirect.gather [hbm4b:s4+s15], $0x80, s25, s15, $0xb8;
	[tilespmem:$0x1D000] =	vst v63  }
0xa4: {  	_ =	swait.ge [sflag:s17], $0x4000  }
0xa5: {  	[sflag:s17] =	ssyncset.done $0x0  }
0xa6: {  	[sflag:s17] =	ssyncadd.s32 $0xFFFFC000  }
0xa7: {  	[spmem:s2] =	stream.indirect.scatter.add.f32 [tilespmem:s12], [sflag:$0x3], $0x80, s26, s15, $0xb8;
	[tilespmem:$0x1D000] =	vst v63  }
0xa8: {  	_ =	swait.ge [sflag:s13], $0x4000  }
0xa9: {  	[sflag:s13] =	ssyncset.done $0x0  }
0xaa: {  	[sflag:s13] =	ssyncadd.s32 $0xFFFFC000  }
0xab: {  	[tilespmem:s12], [sflag:$0x1] =	stream.indirect.gather [hbm4b:s4+s15], $0x80, s28, s15, $0xb8;
	[tilespmem:$0x1D000] =	vst v63  }
0xac: {  	_ =	swait.ge [sflag:s18], $0x4000  }
0xad: {  	[sflag:s18] =	ssyncset.done $0x0  }
0xae: {  	[sflag:s18] =	ssyncadd.s32 $0xFFFFC000  }
0xaf: {  	[spmem:s2] =	stream.indirect.scatter.add.f32 [tilespmem:s16], [sflag:$0x3], $0x80, s29, s15, $0xb8;
	[tilespmem:$0x1D000] =	vst v63  }
0xb0: {  	_ =	swait.ge [sflag:s13], $0x4000  }
0xb1: {  	[sflag:s13] =	ssyncset.done $0x0  }
0xb2: {  	[sflag:s13] =	ssyncadd.s32 $0xFFFFC000  }
0xb3: {  	[tilespmem:s16], [sflag:$0x2] =	stream.indirect.gather [hbm4b:s4+s15], $0x80, s30, s15, $0xb8;
	[tilespmem:$0x1D000] =	vst v63  }
0xb4: {  	_ =	swait.ge [sflag:s17], $0x4000  }
0xb5: {  	[sflag:s17] =	ssyncset.done $0x0  }
0xb6: {  	[sflag:s17] =	ssyncadd.s32 $0xFFFFC000  }
0xb7: {  	[spmem:s2] =	stream.indirect.scatter.add.f32 [tilespmem:s12], [sflag:$0x3], $0x80, s31, s15, $0xb8;
	[tilespmem:$0x1D000] =	vst v63  }
0xb8: {  	_ =	swait.ge [sflag:s13], $0x4000  }
0xb9: {  	[sflag:s13] =	ssyncset.done $0x0  }
0xba: {  	[sflag:s13] =	ssyncadd.s32 $0xFFFFC000  }
0xbb: {  	[tilespmem:s12], [sflag:$0x1] =	stream.indirect.gather [hbm4b:s4+s15], $0x80, s1, s15, $0xb8;
	[tilespmem:$0x1D000] =	vst v63  }
0xbc: {  	_ =	swait.ge [sflag:s18], $0x4000  }
0xbd: {  	[sflag:s18] =	ssyncset.done $0x0  }
0xbe: {  	[sflag:s18] =	ssyncadd.s32 $0xFFFFC000  }
0xbf: {  	[spmem:s2] =	stream.indirect.scatter.add.f32 [tilespmem:s16], [sflag:$0x3], $0x80, s0, s15, $0xb8;
	[tilespmem:$0x1D000] =	vst v63  }
0xc0: {  	_ =	swait.ge [sflag:s13], $0x4000  }
0xc1: {  	[sflag:s13] =	ssyncset.done $0x0  }
0xc2: {  	[sflag:s13] =	ssyncadd.s32 $0xFFFFC000  }
0xc3: {  	[tilespmem:s16], [sflag:$0x2] =	stream.indirect.gather [hbm4b:s4+s15], $0x80, s6, s15, $0xb8;
	[tilespmem:$0x1D000] =	vst v63  }
0xc4: {  	_ =	swait.ge [sflag:s17], $0x4000  }
0xc5: {  	[sflag:s17] =	ssyncset.done $0x0  }
0xc6: {  	[sflag:s17] =	ssyncadd.s32 $0xFFFFC000  }
0xc7: {  	[spmem:s2] =	stream.indirect.scatter.add.f32 [tilespmem:s12], [sflag:$0x3], $0x80, s7, s15, $0xb8;
	[tilespmem:$0x1D000] =	vst v63  }
0xc8: {  	_ =	swait.ge [sflag:s13], $0x4000  }
0xc9: {  	[sflag:s13] =	ssyncset.done $0x0  }
0xca: {  	[sflag:s13] =	ssyncadd.s32 $0xFFFFC000  }
0xcb: {  	_ =	swait.ge [sflag:s18], $0x4000  }
0xcc: {  	[sflag:s18] =	ssyncset.done $0x0  }
0xcd: {  	[sflag:s18] =	ssyncadd.s32 $0xFFFFC000  }
0xce: {  	[spmem:s2] =	stream.indirect.scatter.add.f32 [tilespmem:s16], [sflag:$0x3], $0x80, s8, s15, $0xb8;
	[tilespmem:$0x1D000] =	vst v63  }
0xcf: {  	s10 =	simm.s32 $0x100;
	_ =	swait.ge [sflag:s13], $0x4000  }
0xd0: {  	s11 =	simm.s32 $0x200;
	s5 =	rddreg [dreg:$0x5];
	[sflag:s13] =	ssyncset.done $0x0  }
.LBB2_4:
0xd1: {  	[sflag:s13] =	ssyncadd.s32 $0xFFFFC000;
	s5 =	sadd.s32 s10, s5  }
0xd2: {  	[tilespmem:s3], [sflag:$0x3] =	stream.linear.gather [hbm4b:s5+s3], $0x800, $0x38;
	[tilespmem:$0x1D000] =	vst v63  }
0xd3: {  	_ =	swait.ge [sflag:s13], $0x800  }
0xd4: {  	s5 =	rddreg [dreg:$0x4];
	[sflag:s13] =	ssyncset.done $0x0  }
0xd5: {  	[sflag:s13] =	ssyncadd.s32 $0xFFFFF800;
	s5 =	sadd.s32 s10, s5  }
0xd6: {  	[tilespmem:s14], [sflag:$0x3] =	stream.linear.gather [hbm4b:s5+s3], $0x800, $0x38;
	[tilespmem:$0x1D000] =	vst v63  }
0xd7: {  	_ =	swait.ge [sflag:s13], $0x800  }
0xd8: {  	[sflag:s13] =	ssyncset.done $0x0  }
0xd9: {  	[sflag:s13] =	ssyncadd.s32 $0xFFFFF800  }
0xda: {  	[tilespmem:s12], [sflag:$0x1] =	stream.indirect.gather [hbm4b:s4+s15], $0x80, s3, s15, $0xb8;
	[tilespmem:$0x1D000] =	vst v63  }
0xdb: {  	_ = 	snop  }
0xdc: {  	[tilespmem:s16], [sflag:$0x2] =	stream.indirect.gather [hbm4b:s4+s15], $0x80, s15, s15, $0xb8;
	[tilespmem:$0x1D000] =	vst v63  }
0xdd: {  	_ =	swait.ge [sflag:s17], $0x4000  }
0xde: {  	[sflag:s17] =	ssyncset.done $0x0  }
0xdf: {  	[sflag:s17] =	ssyncadd.s32 $0xFFFFC000  }
0xe0: {  	[spmem:s2] =	stream.indirect.scatter.add.f32 [tilespmem:s12], [sflag:$0x3], $0x80, s14, s15, $0xb8;
	[tilespmem:$0x1D000] =	vst v63  }
0xe1: {  	_ =	swait.ge [sflag:s13], $0x4000  }
0xe2: {  	s9 =	smov.u32 s11;
	[sflag:s13] =	ssyncset.done $0x0  }
0xe3: {  	s10 =	smov.u32 s9;
	s9 =	rddreg [dreg:$0x6];
	[sflag:s13] =	ssyncadd.s32 $0xFFFFC000  }
0xe4: {  	[tilespmem:s12], [sflag:$0x1] =	stream.indirect.gather [hbm4b:s4+s15], $0x80, s9, s15, $0xb8;
	[tilespmem:$0x1D000] =	vst v63  }
0xe5: {  	_ =	swait.ge [sflag:s18], $0x4000  }
0xe6: {  	[sflag:s18] =	ssyncset.done $0x0  }
0xe7: {  	s9 =	rddreg [dreg:$0x7];
	[sflag:s18] =	ssyncadd.s32 $0xFFFFC000  }
0xe8: {  	[spmem:s2] =	stream.indirect.scatter.add.f32 [tilespmem:s16], [sflag:$0x3], $0x80, s9, s15, $0xb8;
	[tilespmem:$0x1D000] =	vst v63  }
0xe9: {  	_ =	swait.ge [sflag:s13], $0x4000  }
0xea: {  	[sflag:s13] =	ssyncset.done $0x0  }
0xeb: {  	s9 =	rddreg [dreg:$0x8];
	[sflag:s13] =	ssyncadd.s32 $0xFFFFC000  }
0xec: {  	[tilespmem:s16], [sflag:$0x2] =	stream.indirect.gather [hbm4b:s4+s15], $0x80, s9, s15, $0xb8;
	[tilespmem:$0x1D000] =	vst v63  }
0xed: {  	_ =	swait.ge [sflag:s17], $0x4000  }
0xee: {  	[sflag:s17] =	ssyncset.done $0x0  }
0xef: {  	s9 =	rddreg [dreg:$0x9];
	[sflag:s17] =	ssyncadd.s32 $0xFFFFC000  }
0xf0: {  	[spmem:s2] =	stream.indirect.scatter.add.f32 [tilespmem:s12], [sflag:$0x3], $0x80, s9, s15, $0xb8;
	[tilespmem:$0x1D000] =	vst v63  }
0xf1: {  	_ =	swait.ge [sflag:s13], $0x4000  }
0xf2: {  	[sflag:s13] =	ssyncset.done $0x0  }
0xf3: {  	s9 =	rddreg [dreg:$0xa];
	[sflag:s13] =	ssyncadd.s32 $0xFFFFC000  }
0xf4: {  	[tilespmem:s12], [sflag:$0x1] =	stream.indirect.gather [hbm4b:s4+s15], $0x80, s9, s15, $0xb8;
	[tilespmem:$0x1D000] =	vst v63  }
0xf5: {  	_ =	swait.ge [sflag:s18], $0x4000  }
0xf6: {  	[sflag:s18] =	ssyncset.done $0x0  }
0xf7: {  	s9 =	rddreg [dreg:$0xb];
	[sflag:s18] =	ssyncadd.s32 $0xFFFFC000  }
0xf8: {  	[spmem:s2] =	stream.indirect.scatter.add.f32 [tilespmem:s16], [sflag:$0x3], $0x80, s9, s15, $0xb8;
	[tilespmem:$0x1D000] =	vst v63  }
0xf9: {  	_ =	swait.ge [sflag:s13], $0x4000  }
0xfa: {  	[sflag:s13] =	ssyncset.done $0x0  }
0xfb: {  	s9 =	rddreg [dreg:$0xc];
	[sflag:s13] =	ssyncadd.s32 $0xFFFFC000  }
0xfc: {  	[tilespmem:s16], [sflag:$0x2] =	stream.indirect.gather [hbm4b:s4+s15], $0x80, s9, s15, $0xb8;
	[tilespmem:$0x1D000] =	vst v63  }
0xfd: {  	_ =	swait.ge [sflag:s17], $0x4000  }
0xfe: {  	[sflag:s17] =	ssyncset.done $0x0  }
0xff: {  	s9 =	rddreg [dreg:$0xd];
	[sflag:s17] =	ssyncadd.s32 $0xFFFFC000  }
0x100: {  	[spmem:s2] =	stream.indirect.scatter.add.f32 [tilespmem:s12], [sflag:$0x3], $0x80, s9, s15, $0xb8;
	[tilespmem:$0x1D000] =	vst v63  }
0x101: {  	_ =	swait.ge [sflag:s13], $0x4000  }
0x102: {  	[sflag:s13] =	ssyncset.done $0x0  }
0x103: {  	s9 =	rddreg [dreg:$0xe];
	[sflag:s13] =	ssyncadd.s32 $0xFFFFC000  }
0x104: {  	[tilespmem:s12], [sflag:$0x1] =	stream.indirect.gather [hbm4b:s4+s15], $0x80, s9, s15, $0xb8;
	[tilespmem:$0x1D000] =	vst v63  }
0x105: {  	_ =	swait.ge [sflag:s18], $0x4000  }
0x106: {  	[sflag:s18] =	ssyncset.done $0x0  }
0x107: {  	s9 =	rddreg [dreg:$0xf];
	[sflag:s18] =	ssyncadd.s32 $0xFFFFC000  }
0x108: {  	[spmem:s2] =	stream.indirect.scatter.add.f32 [tilespmem:s16], [sflag:$0x3], $0x80, s9, s15, $0xb8;
	[tilespmem:$0x1D000] =	vst v63  }
0x109: {  	_ =	swait.ge [sflag:s13], $0x4000  }
0x10a: {  	[sflag:s13] =	ssyncset.done $0x0  }
0x10b: {  	s9 =	rddreg [dreg:$0x10];
	[sflag:s13] =	ssyncadd.s32 $0xFFFFC000  }
0x10c: {  	[tilespmem:s16], [sflag:$0x2] =	stream.indirect.gather [hbm4b:s4+s15], $0x80, s9, s15, $0xb8;
	[tilespmem:$0x1D000] =	vst v63  }
0x10d: {  	_ =	swait.ge [sflag:s17], $0x4000  }
0x10e: {  	[sflag:s17] =	ssyncset.done $0x0  }
0x10f: {  	s9 =	rddreg [dreg:$0x11];
	[sflag:s17] =	ssyncadd.s32 $0xFFFFC000  }
0x110: {  	[spmem:s2] =	stream.indirect.scatter.add.f32 [tilespmem:s12], [sflag:$0x3], $0x80, s9, s15, $0xb8;
	[tilespmem:$0x1D000] =	vst v63  }
0x111: {  	_ =	swait.ge [sflag:s13], $0x4000  }
0x112: {  	[sflag:s13] =	ssyncset.done $0x0  }
0x113: {  	[sflag:s13] =	ssyncadd.s32 $0xFFFFC000  }
0x114: {  	[tilespmem:s12], [sflag:$0x1] =	stream.indirect.gather [hbm4b:s4+s15], $0x80, s19, s15, $0xb8;
	[tilespmem:$0x1D000] =	vst v63  }
0x115: {  	_ =	swait.ge [sflag:s18], $0x4000  }
0x116: {  	[sflag:s18] =	ssyncset.done $0x0  }
0x117: {  	[sflag:s18] =	ssyncadd.s32 $0xFFFFC000  }
0x118: {  	[spmem:s2] =	stream.indirect.scatter.add.f32 [tilespmem:s16], [sflag:$0x3], $0x80, s20, s15, $0xb8;
	[tilespmem:$0x1D000] =	vst v63  }
0x119: {  	_ =	swait.ge [sflag:s13], $0x4000  }
0x11a: {  	[sflag:s13] =	ssyncset.done $0x0  }
0x11b: {  	[sflag:s13] =	ssyncadd.s32 $0xFFFFC000  }
0x11c: {  	[tilespmem:s16], [sflag:$0x2] =	stream.indirect.gather [hbm4b:s4+s15], $0x80, s21, s15, $0xb8;
	[tilespmem:$0x1D000] =	vst v63  }
0x11d: {  	_ =	swait.ge [sflag:s17], $0x4000  }
0x11e: {  	[sflag:s17] =	ssyncset.done $0x0  }
0x11f: {  	[sflag:s17] =	ssyncadd.s32 $0xFFFFC000  }
0x120: {  	[spmem:s2] =	stream.indirect.scatter.add.f32 [tilespmem:s12], [sflag:$0x3], $0x80, s22, s15, $0xb8;
	[tilespmem:$0x1D000] =	vst v63  }
0x121: {  	_ =	swait.ge [sflag:s13], $0x4000  }
0x122: {  	[sflag:s13] =	ssyncset.done $0x0  }
0x123: {  	[sflag:s13] =	ssyncadd.s32 $0xFFFFC000  }
0x124: {  	[tilespmem:s12], [sflag:$0x1] =	stream.indirect.gather [hbm4b:s4+s15], $0x80, s23, s15, $0xb8;
	[tilespmem:$0x1D000] =	vst v63  }
0x125: {  	_ =	swait.ge [sflag:s18], $0x4000  }
0x126: {  	[sflag:s18] =	ssyncset.done $0x0  }
0x127: {  	[sflag:s18] =	ssyncadd.s32 $0xFFFFC000  }
0x128: {  	[spmem:s2] =	stream.indirect.scatter.add.f32 [tilespmem:s16], [sflag:$0x3], $0x80, s24, s15, $0xb8;
	[tilespmem:$0x1D000] =	vst v63  }
0x129: {  	_ =	swait.ge [sflag:s13], $0x4000  }
0x12a: {  	[sflag:s13] =	ssyncset.done $0x0  }
0x12b: {  	[sflag:s13] =	ssyncadd.s32 $0xFFFFC000  }
0x12c: {  	[tilespmem:s16], [sflag:$0x2] =	stream.indirect.gather [hbm4b:s4+s15], $0x80, s25, s15, $0xb8;
	[tilespmem:$0x1D000] =	vst v63  }
0x12d: {  	_ =	swait.ge [sflag:s17], $0x4000  }
0x12e: {  	[sflag:s17] =	ssyncset.done $0x0  }
0x12f: {  	[sflag:s17] =	ssyncadd.s32 $0xFFFFC000  }
0x130: {  	[spmem:s2] =	stream.indirect.scatter.add.f32 [tilespmem:s12], [sflag:$0x3], $0x80, s26, s15, $0xb8;
	[tilespmem:$0x1D000] =	vst v63  }
0x131: {  	_ =	swait.ge [sflag:s13], $0x4000  }
0x132: {  	[sflag:s13] =	ssyncset.done $0x0  }
0x133: {  	[sflag:s13] =	ssyncadd.s32 $0xFFFFC000  }
0x134: {  	[tilespmem:s12], [sflag:$0x1] =	stream.indirect.gather [hbm4b:s4+s15], $0x80, s28, s15, $0xb8;
	[tilespmem:$0x1D000] =	vst v63  }
0x135: {  	_ =	swait.ge [sflag:s18], $0x4000  }
0x136: {  	[sflag:s18] =	ssyncset.done $0x0  }
0x137: {  	[sflag:s18] =	ssyncadd.s32 $0xFFFFC000  }
0x138: {  	[spmem:s2] =	stream.indirect.scatter.add.f32 [tilespmem:s16], [sflag:$0x3], $0x80, s29, s15, $0xb8;
	[tilespmem:$0x1D000] =	vst v63  }
0x139: {  	_ =	swait.ge [sflag:s13], $0x4000  }
0x13a: {  	[sflag:s13] =	ssyncset.done $0x0  }
0x13b: {  	[sflag:s13] =	ssyncadd.s32 $0xFFFFC000  }
0x13c: {  	[tilespmem:s16], [sflag:$0x2] =	stream.indirect.gather [hbm4b:s4+s15], $0x80, s30, s15, $0xb8;
	[tilespmem:$0x1D000] =	vst v63  }
0x13d: {  	_ =	swait.ge [sflag:s17], $0x4000  }
0x13e: {  	[sflag:s17] =	ssyncset.done $0x0  }
0x13f: {  	[sflag:s17] =	ssyncadd.s32 $0xFFFFC000  }
0x140: {  	[spmem:s2] =	stream.indirect.scatter.add.f32 [tilespmem:s12], [sflag:$0x3], $0x80, s31, s15, $0xb8;
	[tilespmem:$0x1D000] =	vst v63  }
0x141: {  	_ =	swait.ge [sflag:s13], $0x4000  }
0x142: {  	[sflag:s13] =	ssyncset.done $0x0  }
0x143: {  	[sflag:s13] =	ssyncadd.s32 $0xFFFFC000  }
0x144: {  	[tilespmem:s12], [sflag:$0x1] =	stream.indirect.gather [hbm4b:s4+s15], $0x80, s1, s15, $0xb8;
	[tilespmem:$0x1D000] =	vst v63  }
0x145: {  	_ =	swait.ge [sflag:s18], $0x4000  }
0x146: {  	[sflag:s18] =	ssyncset.done $0x0  }
0x147: {  	[sflag:s18] =	ssyncadd.s32 $0xFFFFC000  }
0x148: {  	[spmem:s2] =	stream.indirect.scatter.add.f32 [tilespmem:s16], [sflag:$0x3], $0x80, s0, s15, $0xb8;
	[tilespmem:$0x1D000] =	vst v63  }
0x149: {  	_ =	swait.ge [sflag:s13], $0x4000  }
0x14a: {  	[sflag:s13] =	ssyncset.done $0x0  }
0x14b: {  	[sflag:s13] =	ssyncadd.s32 $0xFFFFC000  }
0x14c: {  	[tilespmem:s16], [sflag:$0x2] =	stream.indirect.gather [hbm4b:s4+s15], $0x80, s6, s15, $0xb8;
	[tilespmem:$0x1D000] =	vst v63  }
0x14d: {  	_ =	swait.ge [sflag:s17], $0x4000  }
0x14e: {  	[sflag:s17] =	ssyncset.done $0x0  }
0x14f: {  	[sflag:s17] =	ssyncadd.s32 $0xFFFFC000  }
0x150: {  	[spmem:s2] =	stream.indirect.scatter.add.f32 [tilespmem:s12], [sflag:$0x3], $0x80, s7, s15, $0xb8;
	[tilespmem:$0x1D000] =	vst v63  }
0x151: {  	_ =	swait.ge [sflag:s13], $0x4000  }
0x152: {  	[sflag:s13] =	ssyncset.done $0x0  }
0x153: {  	[sflag:s13] =	ssyncadd.s32 $0xFFFFC000  }
0x154: {  	p0 =	sne.s32 s11, $0x400;
	_ =	swait.ge [sflag:s18], $0x4000  }
.Ltmp1:
0x155: {  	[sflag:s18] =	ssyncset.done $0x0;
	(pc) =	sbr.rel @p0 .LBB2_4-.Ltmp1, $4  }
0x156: {  	[sflag:s18] =	ssyncadd.s32 $0xFFFFC000  }
0x157: {  	[spmem:s2] =	stream.indirect.scatter.add.f32 [tilespmem:s16], [sflag:$0x3], $0x80, s8, s15, $0xb8;
	[tilespmem:$0x1D000] =	vst v63  }
0x158: {  	_ =	swait.ge [sflag:s13], $0x4000  }
0x159: {  	s11 =	sadd.s32 $0x100, s11;
	s5 =	rddreg [dreg:$0x5];
	[sflag:s13] =	ssyncset.done $0x0  }
0x15a: {  	[sflag:s13] =	ssyncadd.s32 $0xFFFFC000;
	s5 =	sadd.s32 s10, s5  }
0x15b: {  	[tilespmem:s3], [sflag:$0x3] =	stream.linear.gather [hbm4b:s5+s3], $0x800, $0x38;
	[tilespmem:$0x1D000] =	vst v63  }
0x15c: {  	_ =	swait.ge [sflag:s13], $0x800  }
0x15d: {  	s9 =	rddreg [dreg:$0x4];
	[sflag:s13] =	ssyncset.done $0x0  }
0x15e: {  	[sflag:s13] =	ssyncadd.s32 $0xFFFFF800;
	s5 =	sadd.s32 s10, s9  }
0x15f: {  	[tilespmem:s14], [sflag:$0x3] =	stream.linear.gather [hbm4b:s5+s3], $0x800, $0x38;
	[tilespmem:$0x1D000] =	vst v63  }
0x160: {  	_ =	swait.ge [sflag:s13], $0x800  }
0x161: {  	[sflag:s13] =	ssyncset.done $0x0  }
0x162: {  	[sflag:s13] =	ssyncadd.s32 $0xFFFFF800  }
0x163: {  	[tilespmem:s12], [sflag:$0x1] =	stream.indirect.gather [hbm4b:s4+s15], $0x80, s3, s15, $0xb8;
	[tilespmem:$0x1D000] =	vst v63  }
0x164: {  	_ = 	snop  }
0x165: {  	[tilespmem:s16], [sflag:$0x2] =	stream.indirect.gather [hbm4b:s4+s15], $0x80, s15, s15, $0xb8;
	[tilespmem:$0x1D000] =	vst v63  }
0x166: {  	_ =	swait.ge [sflag:s17], $0x4000  }
0x167: {  	[sflag:s17] =	ssyncset.done $0x0  }
0x168: {  	[sflag:s17] =	ssyncadd.s32 $0xFFFFC000  }
0x169: {  	[spmem:s2] =	stream.indirect.scatter.add.f32 [tilespmem:s12], [sflag:$0x3], $0x80, s14, s15, $0xb8;
	[tilespmem:$0x1D000] =	vst v63  }
0x16a: {  	_ =	swait.ge [sflag:s13], $0x4000  }
0x16b: {  	[sflag:s13] =	ssyncset.done $0x0  }
0x16c: {  	s10 =	rddreg [dreg:$0x6];
	[sflag:s13] =	ssyncadd.s32 $0xFFFFC000  }
0x16d: {  	[tilespmem:s12], [sflag:$0x1] =	stream.indirect.gather [hbm4b:s4+s15], $0x80, s10, s15, $0xb8;
	[tilespmem:$0x1D000] =	vst v63  }
0x16e: {  	_ =	swait.ge [sflag:s18], $0x4000  }
0x16f: {  	[sflag:s18] =	ssyncset.done $0x0  }
0x170: {  	s11 =	rddreg [dreg:$0x7];
	[sflag:s18] =	ssyncadd.s32 $0xFFFFC000  }
0x171: {  	[spmem:s2] =	stream.indirect.scatter.add.f32 [tilespmem:s16], [sflag:$0x3], $0x80, s11, s15, $0xb8;
	[tilespmem:$0x1D000] =	vst v63  }
0x172: {  	_ =	swait.ge [sflag:s13], $0x4000  }
0x173: {  	[sflag:s13] =	ssyncset.done $0x0  }
0x174: {  	s9 =	rddreg [dreg:$0x8];
	[sflag:s13] =	ssyncadd.s32 $0xFFFFC000  }
0x175: {  	[tilespmem:s16], [sflag:$0x2] =	stream.indirect.gather [hbm4b:s4+s15], $0x80, s9, s15, $0xb8;
	[tilespmem:$0x1D000] =	vst v63  }
0x176: {  	_ =	swait.ge [sflag:s17], $0x4000  }
0x177: {  	[sflag:s17] =	ssyncset.done $0x0  }
0x178: {  	s10 =	rddreg [dreg:$0x9];
	[sflag:s17] =	ssyncadd.s32 $0xFFFFC000  }
0x179: {  	[spmem:s2] =	stream.indirect.scatter.add.f32 [tilespmem:s12], [sflag:$0x3], $0x80, s10, s15, $0xb8;
	[tilespmem:$0x1D000] =	vst v63  }
0x17a: {  	_ =	swait.ge [sflag:s13], $0x4000  }
0x17b: {  	[sflag:s13] =	ssyncset.done $0x0  }
0x17c: {  	s11 =	rddreg [dreg:$0xa];
	[sflag:s13] =	ssyncadd.s32 $0xFFFFC000  }
0x17d: {  	[tilespmem:s12], [sflag:$0x1] =	stream.indirect.gather [hbm4b:s4+s15], $0x80, s11, s15, $0xb8;
	[tilespmem:$0x1D000] =	vst v63  }
0x17e: {  	_ =	swait.ge [sflag:s18], $0x4000  }
0x17f: {  	[sflag:s18] =	ssyncset.done $0x0  }
0x180: {  	s9 =	rddreg [dreg:$0xb];
	[sflag:s18] =	ssyncadd.s32 $0xFFFFC000  }
0x181: {  	[spmem:s2] =	stream.indirect.scatter.add.f32 [tilespmem:s16], [sflag:$0x3], $0x80, s9, s15, $0xb8;
	[tilespmem:$0x1D000] =	vst v63  }
0x182: {  	_ =	swait.ge [sflag:s13], $0x4000  }
0x183: {  	[sflag:s13] =	ssyncset.done $0x0  }
0x184: {  	s10 =	rddreg [dreg:$0xc];
	[sflag:s13] =	ssyncadd.s32 $0xFFFFC000  }
0x185: {  	[tilespmem:s16], [sflag:$0x2] =	stream.indirect.gather [hbm4b:s4+s15], $0x80, s10, s15, $0xb8;
	[tilespmem:$0x1D000] =	vst v63  }
0x186: {  	_ =	swait.ge [sflag:s17], $0x4000  }
0x187: {  	[sflag:s17] =	ssyncset.done $0x0  }
0x188: {  	s11 =	rddreg [dreg:$0xd];
	[sflag:s17] =	ssyncadd.s32 $0xFFFFC000  }
0x189: {  	[spmem:s2] =	stream.indirect.scatter.add.f32 [tilespmem:s12], [sflag:$0x3], $0x80, s11, s15, $0xb8;
	[tilespmem:$0x1D000] =	vst v63  }
0x18a: {  	_ =	swait.ge [sflag:s13], $0x4000  }
0x18b: {  	[sflag:s13] =	ssyncset.done $0x0  }
0x18c: {  	s9 =	rddreg [dreg:$0xe];
	[sflag:s13] =	ssyncadd.s32 $0xFFFFC000  }
0x18d: {  	[tilespmem:s12], [sflag:$0x1] =	stream.indirect.gather [hbm4b:s4+s15], $0x80, s9, s15, $0xb8;
	[tilespmem:$0x1D000] =	vst v63  }
0x18e: {  	_ =	swait.ge [sflag:s18], $0x4000  }
0x18f: {  	[sflag:s18] =	ssyncset.done $0x0  }
0x190: {  	s10 =	rddreg [dreg:$0xf];
	[sflag:s18] =	ssyncadd.s32 $0xFFFFC000  }
0x191: {  	[spmem:s2] =	stream.indirect.scatter.add.f32 [tilespmem:s16], [sflag:$0x3], $0x80, s10, s15, $0xb8;
	[tilespmem:$0x1D000] =	vst v63  }
0x192: {  	_ =	swait.ge [sflag:s13], $0x4000  }
0x193: {  	[sflag:s13] =	ssyncset.done $0x0  }
0x194: {  	s11 =	rddreg [dreg:$0x10];
	[sflag:s13] =	ssyncadd.s32 $0xFFFFC000  }
0x195: {  	[tilespmem:s16], [sflag:$0x2] =	stream.indirect.gather [hbm4b:s4+s15], $0x80, s11, s15, $0xb8;
	[tilespmem:$0x1D000] =	vst v63  }
0x196: {  	_ =	swait.ge [sflag:s17], $0x4000  }
0x197: {  	[sflag:s17] =	ssyncset.done $0x0  }
0x198: {  	s9 =	rddreg [dreg:$0x11];
	[sflag:s17] =	ssyncadd.s32 $0xFFFFC000  }
0x199: {  	[spmem:s2] =	stream.indirect.scatter.add.f32 [tilespmem:s12], [sflag:$0x3], $0x80, s9, s15, $0xb8;
	[tilespmem:$0x1D000] =	vst v63  }
0x19a: {  	_ =	swait.ge [sflag:s13], $0x4000  }
0x19b: {  	[sflag:s13] =	ssyncset.done $0x0  }
0x19c: {  	[sflag:s13] =	ssyncadd.s32 $0xFFFFC000  }
0x19d: {  	[tilespmem:s12], [sflag:$0x1] =	stream.indirect.gather [hbm4b:s4+s15], $0x80, s19, s15, $0xb8;
	[tilespmem:$0x1D000] =	vst v63  }
0x19e: {  	_ =	swait.ge [sflag:s18], $0x4000  }
0x19f: {  	[sflag:s18] =	ssyncset.done $0x0  }
0x1a0: {  	[sflag:s18] =	ssyncadd.s32 $0xFFFFC000  }
0x1a1: {  	[spmem:s2] =	stream.indirect.scatter.add.f32 [tilespmem:s16], [sflag:$0x3], $0x80, s20, s15, $0xb8;
	[tilespmem:$0x1D000] =	vst v63  }
0x1a2: {  	_ =	swait.ge [sflag:s13], $0x4000  }
0x1a3: {  	[sflag:s13] =	ssyncset.done $0x0  }
0x1a4: {  	[sflag:s13] =	ssyncadd.s32 $0xFFFFC000  }
0x1a5: {  	[tilespmem:s16], [sflag:$0x2] =	stream.indirect.gather [hbm4b:s4+s15], $0x80, s21, s15, $0xb8;
	[tilespmem:$0x1D000] =	vst v63  }
0x1a6: {  	_ =	swait.ge [sflag:s17], $0x4000  }
0x1a7: {  	[sflag:s17] =	ssyncset.done $0x0  }
0x1a8: {  	[sflag:s17] =	ssyncadd.s32 $0xFFFFC000  }
0x1a9: {  	[spmem:s2] =	stream.indirect.scatter.add.f32 [tilespmem:s12], [sflag:$0x3], $0x80, s22, s15, $0xb8;
	[tilespmem:$0x1D000] =	vst v63  }
0x1aa: {  	_ =	swait.ge [sflag:s13], $0x4000  }
0x1ab: {  	[sflag:s13] =	ssyncset.done $0x0  }
0x1ac: {  	[sflag:s13] =	ssyncadd.s32 $0xFFFFC000  }
0x1ad: {  	[tilespmem:s12], [sflag:$0x1] =	stream.indirect.gather [hbm4b:s4+s15], $0x80, s23, s15, $0xb8;
	[tilespmem:$0x1D000] =	vst v63  }
0x1ae: {  	_ =	swait.ge [sflag:s18], $0x4000  }
0x1af: {  	[sflag:s18] =	ssyncset.done $0x0  }
0x1b0: {  	[sflag:s18] =	ssyncadd.s32 $0xFFFFC000  }
0x1b1: {  	[spmem:s2] =	stream.indirect.scatter.add.f32 [tilespmem:s16], [sflag:$0x3], $0x80, s24, s15, $0xb8;
	[tilespmem:$0x1D000] =	vst v63  }
0x1b2: {  	_ =	swait.ge [sflag:s13], $0x4000  }
0x1b3: {  	[sflag:s13] =	ssyncset.done $0x0  }
0x1b4: {  	[sflag:s13] =	ssyncadd.s32 $0xFFFFC000  }
0x1b5: {  	[tilespmem:s16], [sflag:$0x2] =	stream.indirect.gather [hbm4b:s4+s15], $0x80, s25, s15, $0xb8;
	[tilespmem:$0x1D000] =	vst v63  }
0x1b6: {  	_ =	swait.ge [sflag:s17], $0x4000  }
0x1b7: {  	[sflag:s17] =	ssyncset.done $0x0  }
0x1b8: {  	[sflag:s17] =	ssyncadd.s32 $0xFFFFC000  }
0x1b9: {  	[spmem:s2] =	stream.indirect.scatter.add.f32 [tilespmem:s12], [sflag:$0x3], $0x80, s26, s15, $0xb8;
	[tilespmem:$0x1D000] =	vst v63  }
0x1ba: {  	_ =	swait.ge [sflag:s13], $0x4000  }
0x1bb: {  	[sflag:s13] =	ssyncset.done $0x0  }
0x1bc: {  	[sflag:s13] =	ssyncadd.s32 $0xFFFFC000  }
0x1bd: {  	[tilespmem:s12], [sflag:$0x1] =	stream.indirect.gather [hbm4b:s4+s15], $0x80, s28, s15, $0xb8;
	[tilespmem:$0x1D000] =	vst v63  }
0x1be: {  	_ =	swait.ge [sflag:s18], $0x4000  }
0x1bf: {  	[sflag:s18] =	ssyncset.done $0x0  }
0x1c0: {  	[sflag:s18] =	ssyncadd.s32 $0xFFFFC000  }
0x1c1: {  	[spmem:s2] =	stream.indirect.scatter.add.f32 [tilespmem:s16], [sflag:$0x3], $0x80, s29, s15, $0xb8;
	[tilespmem:$0x1D000] =	vst v63  }
0x1c2: {  	_ =	swait.ge [sflag:s13], $0x4000  }
0x1c3: {  	[sflag:s13] =	ssyncset.done $0x0  }
0x1c4: {  	[sflag:s13] =	ssyncadd.s32 $0xFFFFC000  }
0x1c5: {  	[tilespmem:s16], [sflag:$0x2] =	stream.indirect.gather [hbm4b:s4+s15], $0x80, s30, s15, $0xb8;
	[tilespmem:$0x1D000] =	vst v63  }
0x1c6: {  	_ =	swait.ge [sflag:s17], $0x4000  }
0x1c7: {  	[sflag:s17] =	ssyncset.done $0x0  }
0x1c8: {  	[sflag:s17] =	ssyncadd.s32 $0xFFFFC000  }
0x1c9: {  	[spmem:s2] =	stream.indirect.scatter.add.f32 [tilespmem:s12], [sflag:$0x3], $0x80, s31, s15, $0xb8;
	[tilespmem:$0x1D000] =	vst v63  }
0x1ca: {  	_ =	swait.ge [sflag:s13], $0x4000  }
0x1cb: {  	[sflag:s13] =	ssyncset.done $0x0  }
0x1cc: {  	[sflag:s13] =	ssyncadd.s32 $0xFFFFC000  }
0x1cd: {  	[tilespmem:s12], [sflag:$0x1] =	stream.indirect.gather [hbm4b:s4+s15], $0x80, s1, s15, $0xb8;
	[tilespmem:$0x1D000] =	vst v63  }
0x1ce: {  	_ =	swait.ge [sflag:s18], $0x4000  }
0x1cf: {  	[sflag:s18] =	ssyncset.done $0x0  }
0x1d0: {  	[sflag:s18] =	ssyncadd.s32 $0xFFFFC000  }
0x1d1: {  	[spmem:s2] =	stream.indirect.scatter.add.f32 [tilespmem:s16], [sflag:$0x3], $0x80, s0, s15, $0xb8;
	[tilespmem:$0x1D000] =	vst v63  }
0x1d2: {  	_ =	swait.ge [sflag:s13], $0x4000  }
0x1d3: {  	[sflag:s13] =	ssyncset.done $0x0  }
0x1d4: {  	[sflag:s13] =	ssyncadd.s32 $0xFFFFC000  }
0x1d5: {  	[tilespmem:s16], [sflag:$0x2] =	stream.indirect.gather [hbm4b:s4+s15], $0x80, s6, s15, $0xb8;
	[tilespmem:$0x1D000] =	vst v63  }
0x1d6: {  	_ =	swait.ge [sflag:s17], $0x4000  }
0x1d7: {  	[sflag:s17] =	ssyncset.done $0x0  }
0x1d8: {  	[sflag:s17] =	ssyncadd.s32 $0xFFFFC000  }
0x1d9: {  	[spmem:s2] =	stream.indirect.scatter.add.f32 [tilespmem:s12], [sflag:$0x3], $0x80, s7, s15, $0xb8;
	[tilespmem:$0x1D000] =	vst v63  }
0x1da: {  	_ =	swait.ge [sflag:s13], $0x4000  }
0x1db: {  	[sflag:s13] =	ssyncset.done $0x0  }
0x1dc: {  	[sflag:s13] =	ssyncadd.s32 $0xFFFFC000  }
0x1dd: {  	_ =	swait.ge [sflag:s18], $0x4000  }
0x1de: {  	[sflag:s18] =	ssyncset.done $0x0  }
0x1df: {  	[sflag:s18] =	ssyncadd.s32 $0xFFFFC000  }
0x1e0: {  	[spmem:s2] =	stream.indirect.scatter.add.f32 [tilespmem:s16], [sflag:$0x3], $0x80, s8, s15, $0xb8;
	[tilespmem:$0x1D000] =	vst v63  }
0x1e1: {  	_ =	swait.ge [sflag:s13], $0x4000  }
0x1e2: {  	[sflag:s13] =	ssyncset.done $0x0  }
0x1e3: {  	[sflag:s13] =	ssyncadd.s32 $0xFFFFC000  }
0x1e4: {  	s10 =	stileid.u32;
	[bflag:$0x0] =	sbarrier.arrive $0xFFFF  }
0x1e5: {  	s5 =	sshll.u32 s10, $0x6;
	s9 =	rddreg [dreg:$0x12]  }
0x1e6: {  	s5 =	sor.u32 $0x1C03, s5;
	s11 =	rddreg [dreg:$0x17];
	s9 =	sshrl.u32 s9, $0x3  }
0x1e7: {  	[hbm:s11], [sflag:s5] =	dma.local [spmem:s9], $0x2800  }
0x1e8: {  	_ =	swait.ge [sflag:s13], $0x2800  }
0x1e9: {  	s10 =	rddreg [dreg:$0x19]  }
0x1ea: {  	s11 =	rddreg [dreg:$0x18];
	s9 =	sadd.s32 $0x1, s10  }
0x1eb: {  	p0 =	sne.s32 s9, s11  }
.Ltmp2:
0x1ec: {  	_ = 	snop;
	(pc) =	sbr.rel @p0 .LBB2_1-.Ltmp2, $3  }
0x1ed: {  	_ =	sdelay $0x1  }
0x1ee: {  	[sflag:s13] =	ssyncset.done $0x0  }
0x1ef: {  	[sflag:s13] =	ssyncadd.s32 $0xFFFFD800  }
0x1f0: {  	_ =	sfence.sel $0x180000  }
0x1f1: {  	[bflag:$0x0] =	sbarrier.arrive $0xFFFF  }
0x1f2: {  	_ =	strace $0x9000004A  }
0x1f3: {  	s0 =	stileid.u32;
	[bflag:$0x2] =	sbarrier.arrive $0xFFFF  }
0x1f4: {  	p0 =	sne.s32 s0, $0x0;
	s0 =	rddreg [dreg:$0x3]  }
0x1f5: {  	s0 =	sadd.s32 @!p0 $0x100000, s0  }
0x1f6: {  	[sflag:s0] =	ssyncadd.tile.s32 @!p0 $0x1;
	_ =	shalt  }
.Lfunc_end2:
_tile_overlayer_lowered:
.L_overlay_start_2:
0x1f7: {  	(tag) =	ssettag $0x2  }
0x1f8: {  	s0 =	rddreg [dreg:$0x0];
	s2 =	stileid.u32  }
0x1f9: {  	s1 =	rddreg [dreg:$0x1];
	p0 =	sne.s32 s2, $0x0  }
0x1fa: {  	s3 =	rddreg [dreg:$0x2];
	[bflag:$0x3] =	sbarrier.arrive $0xFFFF;
	s2 =	simm.s32 @!p0 $0x1C03  }
0x1fb: {  	[timem:s3], [sflag:s2] =	dma.local @!p0 [hbm:s0], s1  }
0x1fc: {  	s0 =	simm.s32 @!p0 $0x3  }
0x1fd: {  	_ =	swait.ge @!p0 [sflag:s0], s1  }
0x1fe: {  	s1 =	ssub.s32 @!p0 $0x0, s1;
	[sflag:s0] =	ssyncset.done @!p0 $0x0  }
0x1ff: {  	[sflag:s0] =	ssyncadd.s32 @!p0 s1  }
0x200: {  	[bflag:$0x3] =	sbarrier.arrive $0xFFFF  }
0x201: {  	_ =	shalt  }

</sc_bundles>
